<compile_context>
chip_gen: v7x
topology: tpu7x:2x2x1
jax: 0.10.2.dev20260603
libtpu: 0.0.44.dev20260713+nightly
codegen_flags: <defaults>
</compile_context>

<pallas_src>
import functools

import jax
import jax.numpy as jnp
from jax import lax
from jax.experimental import pallas as pl
from jax.experimental.pallas import tpu as pltpu
from jax.experimental.pallas import tpu_sc as plsc


def _diag_body(x_ref, p_ref, b_ref, out_ref):
    z = jnp.dot(x_ref[...], p_ref[...], preferred_element_type=jnp.float32)
    out_ref[...] = jax.nn.sigmoid(z + b_ref[...]).T


@functools.cache
def _diag_call(n, d):
    return pl.pallas_call(
        _diag_body,
        out_shape=jax.ShapeDtypeStruct((1, n), jnp.float32),
    )


_NUM_CORES = 2
_NUM_SUBCORES = 16
_LANES = 16


@functools.cache
def _gather_call(n, e):
    nw = _NUM_CORES * _NUM_SUBCORES
    lanes = _LANES
    main = (e // nw) // 128 * 128
    extra = e - nw * main
    assert main % lanes == 0 and extra % lanes == 0 and extra >= 0
    nvec_main = main // lanes
    nvec_extra = extra // lanes
    mesh = plsc.VectorSubcoreMesh(
        core_axis_name="c", subcore_axis_name="s",
        num_cores=_NUM_CORES, num_subcores=_NUM_SUBCORES,
    )

    @functools.partial(
        pl.kernel,
        out_type=(
            jax.ShapeDtypeStruct((2, e), jnp.int32),
            jax.ShapeDtypeStruct((e,), jnp.float32),
        ),
        mesh=mesh,
        compiler_params=pltpu.CompilerParams(needs_layout_passes=False),
        scratch_types=[
            pltpu.VMEM((n,), jnp.float32),
            pltpu.VMEM((2, main + extra), jnp.int32),
            pltpu.VMEM((main + extra,), jnp.float32),
            pltpu.VMEM((main + extra,), jnp.float32),
            pltpu.SemaphoreType.DMA,
            pltpu.SemaphoreType.DMA,
        ],
    )
    def gather_k(diag_hbm, ei_hbm, attr_hbm, ei_out, val_out,
                 diag_v, ei_v, attr_v, val_v, sem_in, sem_out):
        wid = lax.axis_index("s") * _NUM_CORES + lax.axis_index("c")
        base = wid * main
        is_last = wid == nw - 1

        half = main // 2
        cp_diag = pltpu.make_async_copy(diag_hbm.at[0, :], diag_v, sem_in)
        cp_ei = pltpu.make_async_copy(
            ei_hbm.at[:, pl.ds(base, half)], ei_v.at[:, pl.ds(0, half)], sem_in)
        cp_attr = pltpu.make_async_copy(
            attr_hbm.at[pl.ds(base, half)], attr_v.at[pl.ds(0, half)], sem_in)
        cp_ei2 = pltpu.make_async_copy(
            ei_hbm.at[:, pl.ds(base + half, half)],
            ei_v.at[:, pl.ds(half, half)], sem_in)
        cp_attr2 = pltpu.make_async_copy(
            attr_hbm.at[pl.ds(base + half, half)],
            attr_v.at[pl.ds(half, half)], sem_in)
        cp_diag.start()
        cp_ei.start()
        cp_attr.start()
        cp_ei2.start()
        cp_attr2.start()

        ebase = nw * main
        cp_ei_x = pltpu.make_async_copy(
            ei_hbm.at[:, pl.ds(ebase, extra)],
            ei_v.at[:, pl.ds(main, extra)], sem_in)
        cp_attr_x = pltpu.make_async_copy(
            attr_hbm.at[pl.ds(ebase, extra)],
            attr_v.at[pl.ds(main, extra)], sem_in)

        @pl.when(is_last)
        def _():
            cp_ei_x.start()
            cp_attr_x.start()

        def body(i, carry):
            s = pl.ds(i * lanes, lanes)
            idx = ei_v[1, s]
            vals = plsc.load_gather(diag_v, [idx])
            val_v[s] = vals * attr_v[s]
            return carry

        cp_diag.wait()
        cp_ei.wait()
        cp_attr.wait()
        lax.fori_loop(0, nvec_main // 2, body, 0, unroll=8)
        cp_val1 = pltpu.make_async_copy(
            val_v.at[pl.ds(0, half)], val_out.at[pl.ds(base, half)], sem_out)
        cp_val1.start()
        cp_po = pltpu.make_async_copy(
            ei_v.at[:, pl.ds(0, half)], ei_out.at[:, pl.ds(base, half)], sem_out)
        cp_po.start()

        cp_ei2.wait()
        cp_attr2.wait()

        @pl.when(is_last)
        def _():
            cp_ei_x.wait()
            cp_attr_x.wait()

        cp_po2 = pltpu.make_async_copy(
            ei_v.at[:, pl.ds(half, half)],
            ei_out.at[:, pl.ds(base + half, half)], sem_out)
        cp_po2.start()
        cp_po_x = pltpu.make_async_copy(
            ei_v.at[:, pl.ds(main, extra)], ei_out.at[:, pl.ds(ebase, extra)],
            sem_out)

        @pl.when(is_last)
        def _():
            cp_po_x.start()

        lax.fori_loop(nvec_main // 2, nvec_main, body, 0, unroll=8)

        @pl.when(is_last)
        def _():
            lax.fori_loop(nvec_main, nvec_main + nvec_extra, body, 0, unroll=8)

        cp_val = pltpu.make_async_copy(
            val_v.at[pl.ds(half, half)],
            val_out.at[pl.ds(base + half, half)], sem_out)
        cp_val.start()
        cp_val_x = pltpu.make_async_copy(
            val_v.at[pl.ds(main, extra)], val_out.at[pl.ds(ebase, extra)],
            sem_out)

        @pl.when(is_last)
        def _():
            cp_val_x.start()

        cp_po.wait()
        cp_po2.wait()
        cp_val1.wait()
        cp_val.wait()

        @pl.when(is_last)
        def _():
            cp_po_x.wait()
            cp_val_x.wait()

    return gather_k


def kernel(x, edge_index, edge_attr, p, b):
    n, d = x.shape
    e = edge_attr.shape[0]
    diag2d = _diag_call(n, d)(x, p, b.reshape(1, 1))
    ei_out, adj_val = _gather_call(n, e)(diag2d, edge_index, edge_attr)
    return (ei_out, adj_val)

# --- scband reference (transcript-rebuilt; emitter-appended) ---
"""Pipeline reference for scband-node-attention-25744033972451 (READ-ONLY COPY).

The authoritative reference and input builder live on the scoring server;
editing this copy changes nothing except your own understanding.
"""

import jax, jax.numpy as jnp
import numpy as np

N = 10000
E = 320000
D = 128

def setup_inputs(seed: int = 0) -> dict:
    key = jax.random.key(seed)
    k1, k2, k3, k4 = jax.random.split(key, 4)
    x = jax.random.normal(k1, (N, D), dtype=jnp.float32)
    edge_index = jax.random.randint(k2, (2, E), 0, N, dtype=jnp.int32)
    edge_attr = jax.random.uniform(k3, (E,), dtype=jnp.float32)
    # xavier_normal_ with gain=1.414 on p of shape (D, 1): std = gain * sqrt(2/(fan_in+fan_out))
    std = 1.414 * np.sqrt(2.0 / (D + 1))
    p = jax.random.normal(k4, (D, 1), dtype=jnp.float32) * std
    b = jnp.zeros((1,), dtype=jnp.float32)
    return {"x": x, "edge_index": edge_index, "edge_attr": edge_attr, "p": p, "b": b}

def reference(x, edge_index, edge_attr, p, b):
    # diag_val = sigmoid(x @ p + b); dropout output in the original module is discarded (no-op)
    diag_val = jax.nn.sigmoid(jnp.matmul(x, p) + b).reshape(-1)
    # spspmm(A, D_diag) with D_diag diagonal: result keeps A's sparsity pattern,
    # value at edge (i, j) becomes edge_attr[e] * diag_val[j] where j = edge_index[1, e]
    adj_mat_val = edge_attr * jnp.take(diag_val, edge_index[1], axis=0)
    return (edge_index, adj_mat_val)

if __name__ == "__main__":
    import jax
    _d = setup_inputs()
    print(jax.jit(kernel)(*tuple(_d.values())))

</pallas_src>

<mosaic_0001>
#map = affine_map<(d0, d1) -> (0, 0)>
#map1 = affine_map<(d0, d1) -> (0)>
module attributes {stable_mosaic.version = 14 : i64} {
  func.func @gather_k(%arg0: i32, %arg1: i32, %arg2: memref<1x10000xf32, #tpu.memory_space<hbm>>, %arg3: memref<2x320000xi32, #tpu.memory_space<hbm>>, %arg4: memref<320000xf32, #tpu.memory_space<hbm>>, %arg5: memref<2x320000xi32, #tpu.memory_space<hbm>>, %arg6: memref<320000xf32, #tpu.memory_space<hbm>>, %arg7: memref<10000xf32, #tpu.memory_space<vmem>>, %arg8: memref<2x10496xi32, #tpu.memory_space<vmem>>, %arg9: memref<10496xf32, #tpu.memory_space<vmem>>, %arg10: memref<10496xf32, #tpu.memory_space<vmem>>, %arg11: memref<!tpu.dma_semaphore, #tpu.memory_space<semaphore_mem>>, %arg12: memref<!tpu.dma_semaphore, #tpu.memory_space<semaphore_mem>>) attributes {dimension_semantics = [#tpu.dimension_semantics<core_parallel>, #tpu.dimension_semantics<subcore_parallel>], iteration_bounds = array<i64: 2, 16>, scalar_prefetch = 0 : i64, scratch_operands = 6 : i64, tpu.core_type = #tpu.core_type<sc_vector_subcore>, window_params = [{transform_indices = #map}, {transform_indices = #map}, {transform_indices = #map1}, {transform_indices = #map}, {transform_indices = #map1}]} {
    %mul3A = arith.constant 2 : i32
    %mul3A_0 = arith.muli %arg1, %mul3A : i32
    %add3A = arith.addi %mul3A_0, %arg0 : i32
    %mul3A_1 = arith.constant 9984 : i32
    %mul3A_2 = arith.muli %add3A, %mul3A_1 : i32
    %eq3A = arith.constant 31 : i32
    %eq3A_3 = arith.cmpi eq, %add3A, %eq3A : i32
    %add3A_4 = arith.constant 4992 : i32
    %add3A_5 = arith.addi %mul3A_2, %add3A_4 : i32
    %add3A_6 = arith.constant 4992 : i32
    %add3A_7 = arith.addi %mul3A_2, %add3A_6 : i32
    %dma_start3A = arith.constant 0 : i32
    %dma_start3A_8 = arith.constant 0 : i32
    %dma_start3A_9 = tpu.memref_slice %arg2[%dma_start3A, %dma_start3A_8] : memref<1x10000xf32, #tpu.memory_space<hbm>> -> memref<1x10000xf32, #tpu.memory_space<hbm>>
    %dma_start3A_10 = tpu.memref_squeeze %dma_start3A_9 : memref<1x10000xf32, #tpu.memory_space<hbm>> -> memref<10000xf32, #tpu.memory_space<hbm>>
    %dma_start3A_11 = arith.constant 0 : i32
    %dma_start3A_12 = tpu.memref_slice %arg2[%dma_start3A, %dma_start3A_11] : memref<1x10000xf32, #tpu.memory_space<hbm>> -> memref<1x10000xf32, #tpu.memory_space<hbm>>
    %dma_start3A_13 = tpu.memref_squeeze %dma_start3A_12 : memref<1x10000xf32, #tpu.memory_space<hbm>> -> memref<10000xf32, #tpu.memory_space<hbm>>
    tpu.enqueue_dma source(%dma_start3A_13 : memref<10000xf32, #tpu.memory_space<hbm>>) target(%arg7 : memref<10000xf32, #tpu.memory_space<vmem>>) target_semaphore(%arg11 : memref<!tpu.dma_semaphore, #tpu.memory_space<semaphore_mem>>)
    %dma_start3A_14 = arith.constant 0 : i32
    %dma_start3A_15 = arith.constant 0 : i32
    %dma_start3A_16 = tpu.memref_slice %arg8[%dma_start3A_14, %dma_start3A_15] : memref<2x10496xi32, #tpu.memory_space<vmem>> -> memref<2x4992xi32, #tpu.memory_space<vmem>>
    %dma_start3A_17 = arith.constant 0 : i32
    %dma_start3A_18 = tpu.memref_slice %arg3[%dma_start3A_17, %mul3A_2] : memref<2x320000xi32, #tpu.memory_space<hbm>> -> memref<2x4992xi32, #tpu.memory_space<hbm>>
    %dma_start3A_19 = arith.constant 0 : i32
    %dma_start3A_20 = arith.constant 0 : i32
    %dma_start3A_21 = tpu.memref_slice %arg8[%dma_start3A_19, %dma_start3A_20] : memref<2x10496xi32, #tpu.memory_space<vmem>> -> memref<2x4992xi32, #tpu.memory_space<vmem>>
    %dma_start3A_22 = arith.constant 0 : i32
    %dma_start3A_23 = tpu.memref_slice %arg3[%dma_start3A_22, %mul3A_2] : memref<2x320000xi32, #tpu.memory_space<hbm>> -> memref<2x4992xi32, #tpu.memory_space<hbm>>
    tpu.enqueue_dma source(%dma_start3A_23 : memref<2x4992xi32, #tpu.memory_space<hbm>>) target(%dma_start3A_21 : memref<2x4992xi32, #tpu.memory_space<vmem>>) target_semaphore(%arg11 : memref<!tpu.dma_semaphore, #tpu.memory_space<semaphore_mem>>)
    %dma_start3A_24 = arith.constant 0 : i32
    %dma_start3A_25 = tpu.memref_slice %arg9[%dma_start3A_24] : memref<10496xf32, #tpu.memory_space<vmem>> -> memref<4992xf32, #tpu.memory_space<vmem>>
    %dma_start3A_26 = tpu.memref_slice %arg4[%mul3A_2] : memref<320000xf32, #tpu.memory_space<hbm>> -> memref<4992xf32, #tpu.memory_space<hbm>>
    %dma_start3A_27 = arith.constant 0 : i32
    %dma_start3A_28 = tpu.memref_slice %arg9[%dma_start3A_27] : memref<10496xf32, #tpu.memory_space<vmem>> -> memref<4992xf32, #tpu.memory_space<vmem>>
    %dma_start3A_29 = tpu.memref_slice %arg4[%mul3A_2] : memref<320000xf32, #tpu.memory_space<hbm>> -> memref<4992xf32, #tpu.memory_space<hbm>>
    tpu.enqueue_dma source(%dma_start3A_29 : memref<4992xf32, #tpu.memory_space<hbm>>) target(%dma_start3A_28 : memref<4992xf32, #tpu.memory_space<vmem>>) target_semaphore(%arg11 : memref<!tpu.dma_semaphore, #tpu.memory_space<semaphore_mem>>)
    %dma_start3A_30 = arith.constant 0 : i32
    %dma_start3A_31 = arith.constant 4992 : i32
    %dma_start3A_32 = tpu.memref_slice %arg8[%dma_start3A_30, %dma_start3A_31] : memref<2x10496xi32, #tpu.memory_space<vmem>> -> memref<2x4992xi32, #tpu.memory_space<vmem>>
    %dma_start3A_33 = arith.constant 0 : i32
    %dma_start3A_34 = tpu.memref_slice %arg3[%dma_start3A_33, %add3A_5] : memref<2x320000xi32, #tpu.memory_space<hbm>> -> memref<2x4992xi32, #tpu.memory_space<hbm>>
    %dma_start3A_35 = arith.constant 0 : i32
    %dma_start3A_36 = arith.constant 4992 : i32
    %dma_start3A_37 = tpu.memref_slice %arg8[%dma_start3A_35, %dma_start3A_36] : memref<2x10496xi32, #tpu.memory_space<vmem>> -> memref<2x4992xi32, #tpu.memory_space<vmem>>
    %dma_start3A_38 = arith.constant 0 : i32
    %dma_start3A_39 = tpu.memref_slice %arg3[%dma_start3A_38, %add3A_5] : memref<2x320000xi32, #tpu.memory_space<hbm>> -> memref<2x4992xi32, #tpu.memory_space<hbm>>
    tpu.enqueue_dma source(%dma_start3A_39 : memref<2x4992xi32, #tpu.memory_space<hbm>>) target(%dma_start3A_37 : memref<2x4992xi32, #tpu.memory_space<vmem>>) target_semaphore(%arg11 : memref<!tpu.dma_semaphore, #tpu.memory_space<semaphore_mem>>)
    %dma_start3A_40 = arith.constant 4992 : i32
    %dma_start3A_41 = tpu.memref_slice %arg9[%dma_start3A_40] : memref<10496xf32, #tpu.memory_space<vmem>> -> memref<4992xf32, #tpu.memory_space<vmem>>
    %dma_start3A_42 = tpu.memref_slice %arg4[%add3A_7] : memref<320000xf32, #tpu.memory_space<hbm>> -> memref<4992xf32, #tpu.memory_space<hbm>>
    %dma_start3A_43 = arith.constant 4992 : i32
    %dma_start3A_44 = tpu.memref_slice %arg9[%dma_start3A_43] : memref<10496xf32, #tpu.memory_space<vmem>> -> memref<4992xf32, #tpu.memory_space<vmem>>
    %dma_start3A_45 = tpu.memref_slice %arg4[%add3A_7] : memref<320000xf32, #tpu.memory_space<hbm>> -> memref<4992xf32, #tpu.memory_space<hbm>>
    tpu.enqueue_dma source(%dma_start3A_45 : memref<4992xf32, #tpu.memory_space<hbm>>) target(%dma_start3A_44 : memref<4992xf32, #tpu.memory_space<vmem>>) target_semaphore(%arg11 : memref<!tpu.dma_semaphore, #tpu.memory_space<semaphore_mem>>)
    %convert_element_type3A = arith.extui %eq3A_3 : i1 to i32
    %cond3A = arith.constant 0 : i32
    %cond3A_46 = arith.cmpi ne, %convert_element_type3A, %cond3A : i32
    scf.if %cond3A_46 {
      %dma_start3A_179 = arith.constant 0 : i32
      %dma_start3A_180 = arith.constant 9984 : i32
      %dma_start3A_181 = tpu.memref_slice %arg8[%dma_start3A_179, %dma_start3A_180] : memref<2x10496xi32, #tpu.memory_space<vmem>> -> memref<2x512xi32, #tpu.memory_space<vmem>>
      %dma_start3A_182 = arith.constant 0 : i32
      %dma_start3A_183 = arith.constant 319488 : i32
      %dma_start3A_184 = tpu.memref_slice %arg3[%dma_start3A_182, %dma_start3A_183] : memref<2x320000xi32, #tpu.memory_space<hbm>> -> memref<2x512xi32, #tpu.memory_space<hbm>>
      %dma_start3A_185 = arith.constant 0 : i32
      %dma_start3A_186 = arith.constant 9984 : i32
      %dma_start3A_187 = tpu.memref_slice %arg8[%dma_start3A_185, %dma_start3A_186] : memref<2x10496xi32, #tpu.memory_space<vmem>> -> memref<2x512xi32, #tpu.memory_space<vmem>>
      %dma_start3A_188 = arith.constant 0 : i32
      %dma_start3A_189 = arith.constant 319488 : i32
      %dma_start3A_190 = tpu.memref_slice %arg3[%dma_start3A_188, %dma_start3A_189] : memref<2x320000xi32, #tpu.memory_space<hbm>> -> memref<2x512xi32, #tpu.memory_space<hbm>>
      tpu.enqueue_dma source(%dma_start3A_190 : memref<2x512xi32, #tpu.memory_space<hbm>>) target(%dma_start3A_187 : memref<2x512xi32, #tpu.memory_space<vmem>>) target_semaphore(%arg11 : memref<!tpu.dma_semaphore, #tpu.memory_space<semaphore_mem>>)
      %dma_start3A_191 = arith.constant 9984 : i32
      %dma_start3A_192 = tpu.memref_slice %arg9[%dma_start3A_191] : memref<10496xf32, #tpu.memory_space<vmem>> -> memref<512xf32, #tpu.memory_space<vmem>>
      %dma_start3A_193 = arith.constant 319488 : i32
      %dma_start3A_194 = tpu.memref_slice %arg4[%dma_start3A_193] : memref<320000xf32, #tpu.memory_space<hbm>> -> memref<512xf32, #tpu.memory_space<hbm>>
      %dma_start3A_195 = arith.constant 9984 : i32
      %dma_start3A_196 = tpu.memref_slice %arg9[%dma_start3A_195] : memref<10496xf32, #tpu.memory_space<vmem>> -> memref<512xf32, #tpu.memory_space<vmem>>
      %dma_start3A_197 = arith.constant 319488 : i32
      %dma_start3A_198 = tpu.memref_slice %arg4[%dma_start3A_197] : memref<320000xf32, #tpu.memory_space<hbm>> -> memref<512xf32, #tpu.memory_space<hbm>>
      tpu.enqueue_dma source(%dma_start3A_198 : memref<512xf32, #tpu.memory_space<hbm>>) target(%dma_start3A_196 : memref<512xf32, #tpu.memory_space<vmem>>) target_semaphore(%arg11 : memref<!tpu.dma_semaphore, #tpu.memory_space<semaphore_mem>>)
    } else {
    }
    %dma_wait3A = arith.constant 0 : i32
    %dma_wait3A_47 = arith.constant 0 : i32
    %dma_wait3A_48 = tpu.memref_slice %arg2[%dma_wait3A, %dma_wait3A_47] : memref<1x10000xf32, #tpu.memory_space<hbm>> -> memref<1x10000xf32, #tpu.memory_space<hbm>>
    %dma_wait3A_49 = tpu.memref_squeeze %dma_wait3A_48 : memref<1x10000xf32, #tpu.memory_space<hbm>> -> memref<10000xf32, #tpu.memory_space<hbm>>
    %dma_wait3A_50 = arith.constant 0 : i32
    %dma_wait3A_51 = tpu.memref_slice %arg2[%dma_wait3A, %dma_wait3A_50] : memref<1x10000xf32, #tpu.memory_space<hbm>> -> memref<1x10000xf32, #tpu.memory_space<hbm>>
    %dma_wait3A_52 = tpu.memref_squeeze %dma_wait3A_51 : memref<1x10000xf32, #tpu.memory_space<hbm>> -> memref<10000xf32, #tpu.memory_space<hbm>>
    tpu.wait_dma2 semaphore(%arg11 : memref<!tpu.dma_semaphore, #tpu.memory_space<semaphore_mem>>) src(%dma_wait3A_52 : memref<10000xf32, #tpu.memory_space<hbm>>) dst(%arg7 : memref<10000xf32, #tpu.memory_space<vmem>>)
    %dma_wait3A_53 = arith.constant 0 : i32
    %dma_wait3A_54 = arith.constant 0 : i32
    %dma_wait3A_55 = tpu.memref_slice %arg8[%dma_wait3A_53, %dma_wait3A_54] : memref<2x10496xi32, #tpu.memory_space<vmem>> -> memref<2x4992xi32, #tpu.memory_space<vmem>>
    %dma_wait3A_56 = arith.constant 0 : i32
    %dma_wait3A_57 = tpu.memref_slice %arg3[%dma_wait3A_56, %mul3A_2] : memref<2x320000xi32, #tpu.memory_space<hbm>> -> memref<2x4992xi32, #tpu.memory_space<hbm>>
    %dma_wait3A_58 = arith.constant 0 : i32
    %dma_wait3A_59 = arith.constant 0 : i32
    %dma_wait3A_60 = tpu.memref_slice %arg8[%dma_wait3A_58, %dma_wait3A_59] : memref<2x10496xi32, #tpu.memory_space<vmem>> -> memref<2x4992xi32, #tpu.memory_space<vmem>>
    %dma_wait3A_61 = arith.constant 0 : i32
    %dma_wait3A_62 = tpu.memref_slice %arg3[%dma_wait3A_61, %mul3A_2] : memref<2x320000xi32, #tpu.memory_space<hbm>> -> memref<2x4992xi32, #tpu.memory_space<hbm>>
    tpu.wait_dma2 semaphore(%arg11 : memref<!tpu.dma_semaphore, #tpu.memory_space<semaphore_mem>>) src(%dma_wait3A_62 : memref<2x4992xi32, #tpu.memory_space<hbm>>) dst(%dma_wait3A_60 : memref<2x4992xi32, #tpu.memory_space<vmem>>)
    %dma_wait3A_63 = arith.constant 0 : i32
    %dma_wait3A_64 = tpu.memref_slice %arg9[%dma_wait3A_63] : memref<10496xf32, #tpu.memory_space<vmem>> -> memref<4992xf32, #tpu.memory_space<vmem>>
    %dma_wait3A_65 = tpu.memref_slice %arg4[%mul3A_2] : memref<320000xf32, #tpu.memory_space<hbm>> -> memref<4992xf32, #tpu.memory_space<hbm>>
    %dma_wait3A_66 = arith.constant 0 : i32
    %dma_wait3A_67 = tpu.memref_slice %arg9[%dma_wait3A_66] : memref<10496xf32, #tpu.memory_space<vmem>> -> memref<4992xf32, #tpu.memory_space<vmem>>
    %dma_wait3A_68 = tpu.memref_slice %arg4[%mul3A_2] : memref<320000xf32, #tpu.memory_space<hbm>> -> memref<4992xf32, #tpu.memory_space<hbm>>
    tpu.wait_dma2 semaphore(%arg11 : memref<!tpu.dma_semaphore, #tpu.memory_space<semaphore_mem>>) src(%dma_wait3A_68 : memref<4992xf32, #tpu.memory_space<hbm>>) dst(%dma_wait3A_67 : memref<4992xf32, #tpu.memory_space<vmem>>)
    %scan3A = arith.constant 0 : i32
    %scan3A_69 = arith.constant 0 : i32
    %scan3A_70 = arith.constant 312 : i32
    %scan3A_71 = arith.addi %scan3A_69, %scan3A_70 : i32
    %scan3A_72 = arith.constant 8 : i32
    scf.for %scan3A_179 = %scan3A_69 to %scan3A_71 step %scan3A_72  : i32 {
      %mul3A_180 = arith.constant 16 : i32
      %mul3A_181 = arith.muli %scan3A_179, %mul3A_180 : i32
      %get3A = arith.constant 1 : i32
      %get3A_182 = arith.index_cast %get3A : i32 to index
      %get3A_183 = arith.index_cast %mul3A_181 : i32 to index
      %get3A_184 = tpu.vector_load %arg8[%get3A_182, %get3A_183] {strides = array<i32>} : memref<2x10496xi32, #tpu.memory_space<vmem>>, vector<16xi32>,
      %gather3A = tpu.vector_load_idx %arg7[%get3A_184] : memref<10000xf32, #tpu.memory_space<vmem>>[vector<16xi32>], vector<16xf32>,
      %get3A_185 = arith.index_cast %mul3A_181 : i32 to index
      %get3A_186 = tpu.vector_load %arg9[%get3A_185] {strides = array<i32>} : memref<10496xf32, #tpu.memory_space<vmem>>, vector<16xf32>,
      %mul3A_187 = arith.mulf %gather3A, %get3A_186 : vector<16xf32>
      %swap3A = arith.index_cast %mul3A_181 : i32 to index
      %swap3A_188 = tpu.vector_load %arg10[%swap3A] {strides = array<i32>} : memref<10496xf32, #tpu.memory_space<vmem>>, vector<16xf32>,
      tpu.vector_store %arg10[%swap3A], %mul3A_187 {strides = array<i32>} : memref<10496xf32, #tpu.memory_space<vmem>>, vector<16xf32>,
      %scan3A_189 = arith.constant 1 : i32
      %scan3A_190 = arith.addi %scan3A_179, %scan3A_189 : i32
      %mul3A_191 = arith.constant 16 : i32
      %mul3A_192 = arith.muli %scan3A_190, %mul3A_191 : i32
      %get3A_193 = arith.constant 1 : i32
      %get3A_194 = arith.index_cast %get3A_193 : i32 to index
      %get3A_195 = arith.index_cast %mul3A_192 : i32 to index
      %get3A_196 = tpu.vector_load %arg8[%get3A_194, %get3A_195] {strides = array<i32>} : memref<2x10496xi32, #tpu.memory_space<vmem>>, vector<16xi32>,
      %gather3A_197 = tpu.vector_load_idx %arg7[%get3A_196] : memref<10000xf32, #tpu.memory_space<vmem>>[vector<16xi32>], vector<16xf32>,
      %get3A_198 = arith.index_cast %mul3A_192 : i32 to index
      %get3A_199 = tpu.vector_load %arg9[%get3A_198] {strides = array<i32>} : memref<10496xf32, #tpu.memory_space<vmem>>, vector<16xf32>,
      %mul3A_200 = arith.mulf %gather3A_197, %get3A_199 : vector<16xf32>
      %swap3A_201 = arith.index_cast %mul3A_192 : i32 to index
      %swap3A_202 = tpu.vector_load %arg10[%swap3A_201] {strides = array<i32>} : memref<10496xf32, #tpu.memory_space<vmem>>, vector<16xf32>,
      tpu.vector_store %arg10[%swap3A_201], %mul3A_200 {strides = array<i32>} : memref<10496xf32, #tpu.memory_space<vmem>>, vector<16xf32>,
      %scan3A_203 = arith.constant 2 : i32
      %scan3A_204 = arith.addi %scan3A_179, %scan3A_203 : i32
      %mul3A_205 = arith.constant 16 : i32
      %mul3A_206 = arith.muli %scan3A_204, %mul3A_205 : i32
      %get3A_207 = arith.constant 1 : i32
      %get3A_208 = arith.index_cast %get3A_207 : i32 to index
      %get3A_209 = arith.index_cast %mul3A_206 : i32 to index
      %get3A_210 = tpu.vector_load %arg8[%get3A_208, %get3A_209] {strides = array<i32>} : memref<2x10496xi32, #tpu.memory_space<vmem>>, vector<16xi32>,
      %gather3A_211 = tpu.vector_load_idx %arg7[%get3A_210] : memref<10000xf32, #tpu.memory_space<vmem>>[vector<16xi32>], vector<16xf32>,
      %get3A_212 = arith.index_cast %mul3A_206 : i32 to index
      %get3A_213 = tpu.vector_load %arg9[%get3A_212] {strides = array<i32>} : memref<10496xf32, #tpu.memory_space<vmem>>, vector<16xf32>,
      %mul3A_214 = arith.mulf %gather3A_211, %get3A_213 : vector<16xf32>
      %swap3A_215 = arith.index_cast %mul3A_206 : i32 to index
      %swap3A_216 = tpu.vector_load %arg10[%swap3A_215] {strides = array<i32>} : memref<10496xf32, #tpu.memory_space<vmem>>, vector<16xf32>,
      tpu.vector_store %arg10[%swap3A_215], %mul3A_214 {strides = array<i32>} : memref<10496xf32, #tpu.memory_space<vmem>>, vector<16xf32>,
      %scan3A_217 = arith.constant 3 : i32
      %scan3A_218 = arith.addi %scan3A_179, %scan3A_217 : i32
      %mul3A_219 = arith.constant 16 : i32
      %mul3A_220 = arith.muli %scan3A_218, %mul3A_219 : i32
      %get3A_221 = arith.constant 1 : i32
      %get3A_222 = arith.index_cast %get3A_221 : i32 to index
      %get3A_223 = arith.index_cast %mul3A_220 : i32 to index
      %get3A_224 = tpu.vector_load %arg8[%get3A_222, %get3A_223] {strides = array<i32>} : memref<2x10496xi32, #tpu.memory_space<vmem>>, vector<16xi32>,
      %gather3A_225 = tpu.vector_load_idx %arg7[%get3A_224] : memref<10000xf32, #tpu.memory_space<vmem>>[vector<16xi32>], vector<16xf32>,
      %get3A_226 = arith.index_cast %mul3A_220 : i32 to index
      %get3A_227 = tpu.vector_load %arg9[%get3A_226] {strides = array<i32>} : memref<10496xf32, #tpu.memory_space<vmem>>, vector<16xf32>,
      %mul3A_228 = arith.mulf %gather3A_225, %get3A_227 : vector<16xf32>
      %swap3A_229 = arith.index_cast %mul3A_220 : i32 to index
      %swap3A_230 = tpu.vector_load %arg10[%swap3A_229] {strides = array<i32>} : memref<10496xf32, #tpu.memory_space<vmem>>, vector<16xf32>,
      tpu.vector_store %arg10[%swap3A_229], %mul3A_228 {strides = array<i32>} : memref<10496xf32, #tpu.memory_space<vmem>>, vector<16xf32>,
      %scan3A_231 = arith.constant 4 : i32
      %scan3A_232 = arith.addi %scan3A_179, %scan3A_231 : i32
      %mul3A_233 = arith.constant 16 : i32
      %mul3A_234 = arith.muli %scan3A_232, %mul3A_233 : i32
      %get3A_235 = arith.constant 1 : i32
      %get3A_236 = arith.index_cast %get3A_235 : i32 to index
      %get3A_237 = arith.index_cast %mul3A_234 : i32 to index
      %get3A_238 = tpu.vector_load %arg8[%get3A_236, %get3A_237] {strides = array<i32>} : memref<2x10496xi32, #tpu.memory_space<vmem>>, vector<16xi32>,
      %gather3A_239 = tpu.vector_load_idx %arg7[%get3A_238] : memref<10000xf32, #tpu.memory_space<vmem>>[vector<16xi32>], vector<16xf32>,
      %get3A_240 = arith.index_cast %mul3A_234 : i32 to index
      %get3A_241 = tpu.vector_load %arg9[%get3A_240] {strides = array<i32>} : memref<10496xf32, #tpu.memory_space<vmem>>, vector<16xf32>,
      %mul3A_242 = arith.mulf %gather3A_239, %get3A_241 : vector<16xf32>
      %swap3A_243 = arith.index_cast %mul3A_234 : i32 to index
      %swap3A_244 = tpu.vector_load %arg10[%swap3A_243] {strides = array<i32>} : memref<10496xf32, #tpu.memory_space<vmem>>, vector<16xf32>,
      tpu.vector_store %arg10[%swap3A_243], %mul3A_242 {strides = array<i32>} : memref<10496xf32, #tpu.memory_space<vmem>>, vector<16xf32>,
      %scan3A_245 = arith.constant 5 : i32
      %scan3A_246 = arith.addi %scan3A_179, %scan3A_245 : i32
      %mul3A_247 = arith.constant 16 : i32
      %mul3A_248 = arith.muli %scan3A_246, %mul3A_247 : i32
      %get3A_249 = arith.constant 1 : i32
      %get3A_250 = arith.index_cast %get3A_249 : i32 to index
      %get3A_251 = arith.index_cast %mul3A_248 : i32 to index
      %get3A_252 = tpu.vector_load %arg8[%get3A_250, %get3A_251] {strides = array<i32>} : memref<2x10496xi32, #tpu.memory_space<vmem>>, vector<16xi32>,
      %gather3A_253 = tpu.vector_load_idx %arg7[%get3A_252] : memref<10000xf32, #tpu.memory_space<vmem>>[vector<16xi32>], vector<16xf32>,
      %get3A_254 = arith.index_cast %mul3A_248 : i32 to index
      %get3A_255 = tpu.vector_load %arg9[%get3A_254] {strides = array<i32>} : memref<10496xf32, #tpu.memory_space<vmem>>, vector<16xf32>,
      %mul3A_256 = arith.mulf %gather3A_253, %get3A_255 : vector<16xf32>
      %swap3A_257 = arith.index_cast %mul3A_248 : i32 to index
      %swap3A_258 = tpu.vector_load %arg10[%swap3A_257] {strides = array<i32>} : memref<10496xf32, #tpu.memory_space<vmem>>, vector<16xf32>,
      tpu.vector_store %arg10[%swap3A_257], %mul3A_256 {strides = array<i32>} : memref<10496xf32, #tpu.memory_space<vmem>>, vector<16xf32>,
      %scan3A_259 = arith.constant 6 : i32
      %scan3A_260 = arith.addi %scan3A_179, %scan3A_259 : i32
      %mul3A_261 = arith.constant 16 : i32
      %mul3A_262 = arith.muli %scan3A_260, %mul3A_261 : i32
      %get3A_263 = arith.constant 1 : i32
      %get3A_264 = arith.index_cast %get3A_263 : i32 to index
      %get3A_265 = arith.index_cast %mul3A_262 : i32 to index
      %get3A_266 = tpu.vector_load %arg8[%get3A_264, %get3A_265] {strides = array<i32>} : memref<2x10496xi32, #tpu.memory_space<vmem>>, vector<16xi32>,
      %gather3A_267 = tpu.vector_load_idx %arg7[%get3A_266] : memref<10000xf32, #tpu.memory_space<vmem>>[vector<16xi32>], vector<16xf32>,
      %get3A_268 = arith.index_cast %mul3A_262 : i32 to index
      %get3A_269 = tpu.vector_load %arg9[%get3A_268] {strides = array<i32>} : memref<10496xf32, #tpu.memory_space<vmem>>, vector<16xf32>,
      %mul3A_270 = arith.mulf %gather3A_267, %get3A_269 : vector<16xf32>
      %swap3A_271 = arith.index_cast %mul3A_262 : i32 to index
      %swap3A_272 = tpu.vector_load %arg10[%swap3A_271] {strides = array<i32>} : memref<10496xf32, #tpu.memory_space<vmem>>, vector<16xf32>,
      tpu.vector_store %arg10[%swap3A_271], %mul3A_270 {strides = array<i32>} : memref<10496xf32, #tpu.memory_space<vmem>>, vector<16xf32>,
      %scan3A_273 = arith.constant 7 : i32
      %scan3A_274 = arith.addi %scan3A_179, %scan3A_273 : i32
      %mul3A_275 = arith.constant 16 : i32
      %mul3A_276 = arith.muli %scan3A_274, %mul3A_275 : i32
      %get3A_277 = arith.constant 1 : i32
      %get3A_278 = arith.index_cast %get3A_277 : i32 to index
      %get3A_279 = arith.index_cast %mul3A_276 : i32 to index
      %get3A_280 = tpu.vector_load %arg8[%get3A_278, %get3A_279] {strides = array<i32>} : memref<2x10496xi32, #tpu.memory_space<vmem>>, vector<16xi32>,
      %gather3A_281 = tpu.vector_load_idx %arg7[%get3A_280] : memref<10000xf32, #tpu.memory_space<vmem>>[vector<16xi32>], vector<16xf32>,
      %get3A_282 = arith.index_cast %mul3A_276 : i32 to index
      %get3A_283 = tpu.vector_load %arg9[%get3A_282] {strides = array<i32>} : memref<10496xf32, #tpu.memory_space<vmem>>, vector<16xf32>,
      %mul3A_284 = arith.mulf %gather3A_281, %get3A_283 : vector<16xf32>
      %swap3A_285 = arith.index_cast %mul3A_276 : i32 to index
      %swap3A_286 = tpu.vector_load %arg10[%swap3A_285] {strides = array<i32>} : memref<10496xf32, #tpu.memory_space<vmem>>, vector<16xf32>,
      tpu.vector_store %arg10[%swap3A_285], %mul3A_284 {strides = array<i32>} : memref<10496xf32, #tpu.memory_space<vmem>>, vector<16xf32>,
    }
    %scan3A_73 = arith.constant 312 : i32
    %dma_start3A_74 = arith.constant 0 : i32
    %dma_start3A_75 = tpu.memref_slice %arg10[%dma_start3A_74] : memref<10496xf32, #tpu.memory_space<vmem>> -> memref<4992xf32, #tpu.memory_space<vmem>>
    %dma_start3A_76 = tpu.memref_slice %arg6[%mul3A_2] : memref<320000xf32, #tpu.memory_space<hbm>> -> memref<4992xf32, #tpu.memory_space<hbm>>
    %dma_start3A_77 = tpu.memref_slice %arg6[%mul3A_2] : memref<320000xf32, #tpu.memory_space<hbm>> -> memref<4992xf32, #tpu.memory_space<hbm>>
    %dma_start3A_78 = arith.constant 0 : i32
    %dma_start3A_79 = tpu.memref_slice %arg10[%dma_start3A_78] : memref<10496xf32, #tpu.memory_space<vmem>> -> memref<4992xf32, #tpu.memory_space<vmem>>
    tpu.enqueue_dma source(%dma_start3A_79 : memref<4992xf32, #tpu.memory_space<vmem>>) target(%dma_start3A_77 : memref<4992xf32, #tpu.memory_space<hbm>>) target_semaphore(%arg12 : memref<!tpu.dma_semaphore, #tpu.memory_space<semaphore_mem>>)
    %dma_start3A_80 = arith.constant 0 : i32
    %dma_start3A_81 = arith.constant 0 : i32
    %dma_start3A_82 = tpu.memref_slice %arg8[%dma_start3A_80, %dma_start3A_81] : memref<2x10496xi32, #tpu.memory_space<vmem>> -> memref<2x4992xi32, #tpu.memory_space<vmem>>
    %dma_start3A_83 = arith.constant 0 : i32
    %dma_start3A_84 = tpu.memref_slice %arg5[%dma_start3A_83, %mul3A_2] : memref<2x320000xi32, #tpu.memory_space<hbm>> -> memref<2x4992xi32, #tpu.memory_space<hbm>>
    %dma_start3A_85 = arith.constant 0 : i32
    %dma_start3A_86 = tpu.memref_slice %arg5[%dma_start3A_85, %mul3A_2] : memref<2x320000xi32, #tpu.memory_space<hbm>> -> memref<2x4992xi32, #tpu.memory_space<hbm>>
    %dma_start3A_87 = arith.constant 0 : i32
    %dma_start3A_88 = arith.constant 0 : i32
    %dma_start3A_89 = tpu.memref_slice %arg8[%dma_start3A_87, %dma_start3A_88] : memref<2x10496xi32, #tpu.memory_space<vmem>> -> memref<2x4992xi32, #tpu.memory_space<vmem>>
    tpu.enqueue_dma source(%dma_start3A_89 : memref<2x4992xi32, #tpu.memory_space<vmem>>) target(%dma_start3A_86 : memref<2x4992xi32, #tpu.memory_space<hbm>>) target_semaphore(%arg12 : memref<!tpu.dma_semaphore, #tpu.memory_space<semaphore_mem>>)
    %dma_wait3A_90 = arith.constant 0 : i32
    %dma_wait3A_91 = arith.constant 4992 : i32
    %dma_wait3A_92 = tpu.memref_slice %arg8[%dma_wait3A_90, %dma_wait3A_91] : memref<2x10496xi32, #tpu.memory_space<vmem>> -> memref<2x4992xi32, #tpu.memory_space<vmem>>
    %dma_wait3A_93 = arith.constant 0 : i32
    %dma_wait3A_94 = tpu.memref_slice %arg3[%dma_wait3A_93, %add3A_5] : memref<2x320000xi32, #tpu.memory_space<hbm>> -> memref<2x4992xi32, #tpu.memory_space<hbm>>
    %dma_wait3A_95 = arith.constant 0 : i32
    %dma_wait3A_96 = arith.constant 4992 : i32
    %dma_wait3A_97 = tpu.memref_slice %arg8[%dma_wait3A_95, %dma_wait3A_96] : memref<2x10496xi32, #tpu.memory_space<vmem>> -> memref<2x4992xi32, #tpu.memory_space<vmem>>
    %dma_wait3A_98 = arith.constant 0 : i32
    %dma_wait3A_99 = tpu.memref_slice %arg3[%dma_wait3A_98, %add3A_5] : memref<2x320000xi32, #tpu.memory_space<hbm>> -> memref<2x4992xi32, #tpu.memory_space<hbm>>
    tpu.wait_dma2 semaphore(%arg11 : memref<!tpu.dma_semaphore, #tpu.memory_space<semaphore_mem>>) src(%dma_wait3A_99 : memref<2x4992xi32, #tpu.memory_space<hbm>>) dst(%dma_wait3A_97 : memref<2x4992xi32, #tpu.memory_space<vmem>>)
    %dma_wait3A_100 = arith.constant 4992 : i32
    %dma_wait3A_101 = tpu.memref_slice %arg9[%dma_wait3A_100] : memref<10496xf32, #tpu.memory_space<vmem>> -> memref<4992xf32, #tpu.memory_space<vmem>>
    %dma_wait3A_102 = tpu.memref_slice %arg4[%add3A_7] : memref<320000xf32, #tpu.memory_space<hbm>> -> memref<4992xf32, #tpu.memory_space<hbm>>
    %dma_wait3A_103 = arith.constant 4992 : i32
    %dma_wait3A_104 = tpu.memref_slice %arg9[%dma_wait3A_103] : memref<10496xf32, #tpu.memory_space<vmem>> -> memref<4992xf32, #tpu.memory_space<vmem>>
    %dma_wait3A_105 = tpu.memref_slice %arg4[%add3A_7] : memref<320000xf32, #tpu.memory_space<hbm>> -> memref<4992xf32, #tpu.memory_space<hbm>>
    tpu.wait_dma2 semaphore(%arg11 : memref<!tpu.dma_semaphore, #tpu.memory_space<semaphore_mem>>) src(%dma_wait3A_105 : memref<4992xf32, #tpu.memory_space<hbm>>) dst(%dma_wait3A_104 : memref<4992xf32, #tpu.memory_space<vmem>>)
    %convert_element_type3A_106 = arith.extui %eq3A_3 : i1 to i32
    %cond3A_107 = arith.constant 0 : i32
    %cond3A_108 = arith.cmpi ne, %convert_element_type3A_106, %cond3A_107 : i32
    scf.if %cond3A_108 {
      %dma_wait3A_179 = arith.constant 0 : i32
      %dma_wait3A_180 = arith.constant 9984 : i32
      %dma_wait3A_181 = tpu.memref_slice %arg8[%dma_wait3A_179, %dma_wait3A_180] : memref<2x10496xi32, #tpu.memory_space<vmem>> -> memref<2x512xi32, #tpu.memory_space<vmem>>
      %dma_wait3A_182 = arith.constant 0 : i32
      %dma_wait3A_183 = arith.constant 319488 : i32
      %dma_wait3A_184 = tpu.memref_slice %arg3[%dma_wait3A_182, %dma_wait3A_183] : memref<2x320000xi32, #tpu.memory_space<hbm>> -> memref<2x512xi32, #tpu.memory_space<hbm>>
      %dma_wait3A_185 = arith.constant 0 : i32
      %dma_wait3A_186 = arith.constant 9984 : i32
      %dma_wait3A_187 = tpu.memref_slice %arg8[%dma_wait3A_185, %dma_wait3A_186] : memref<2x10496xi32, #tpu.memory_space<vmem>> -> memref<2x512xi32, #tpu.memory_space<vmem>>
      %dma_wait3A_188 = arith.constant 0 : i32
      %dma_wait3A_189 = arith.constant 319488 : i32
      %dma_wait3A_190 = tpu.memref_slice %arg3[%dma_wait3A_188, %dma_wait3A_189] : memref<2x320000xi32, #tpu.memory_space<hbm>> -> memref<2x512xi32, #tpu.memory_space<hbm>>
      tpu.wait_dma2 semaphore(%arg11 : memref<!tpu.dma_semaphore, #tpu.memory_space<semaphore_mem>>) src(%dma_wait3A_190 : memref<2x512xi32, #tpu.memory_space<hbm>>) dst(%dma_wait3A_187 : memref<2x512xi32, #tpu.memory_space<vmem>>)
      %dma_wait3A_191 = arith.constant 9984 : i32
      %dma_wait3A_192 = tpu.memref_slice %arg9[%dma_wait3A_191] : memref<10496xf32, #tpu.memory_space<vmem>> -> memref<512xf32, #tpu.memory_space<vmem>>
      %dma_wait3A_193 = arith.constant 319488 : i32
      %dma_wait3A_194 = tpu.memref_slice %arg4[%dma_wait3A_193] : memref<320000xf32, #tpu.memory_space<hbm>> -> memref<512xf32, #tpu.memory_space<hbm>>
      %dma_wait3A_195 = arith.constant 9984 : i32
      %dma_wait3A_196 = tpu.memref_slice %arg9[%dma_wait3A_195] : memref<10496xf32, #tpu.memory_space<vmem>> -> memref<512xf32, #tpu.memory_space<vmem>>
      %dma_wait3A_197 = arith.constant 319488 : i32
      %dma_wait3A_198 = tpu.memref_slice %arg4[%dma_wait3A_197] : memref<320000xf32, #tpu.memory_space<hbm>> -> memref<512xf32, #tpu.memory_space<hbm>>
      tpu.wait_dma2 semaphore(%arg11 : memref<!tpu.dma_semaphore, #tpu.memory_space<semaphore_mem>>) src(%dma_wait3A_198 : memref<512xf32, #tpu.memory_space<hbm>>) dst(%dma_wait3A_196 : memref<512xf32, #tpu.memory_space<vmem>>)
    } else {
    }
    %add3A_109 = arith.constant 4992 : i32
    %add3A_110 = arith.addi %mul3A_2, %add3A_109 : i32
    %dma_start3A_111 = arith.constant 0 : i32
    %dma_start3A_112 = arith.constant 4992 : i32
    %dma_start3A_113 = tpu.memref_slice %arg8[%dma_start3A_111, %dma_start3A_112] : memref<2x10496xi32, #tpu.memory_space<vmem>> -> memref<2x4992xi32, #tpu.memory_space<vmem>>
    %dma_start3A_114 = arith.constant 0 : i32
    %dma_start3A_115 = tpu.memref_slice %arg5[%dma_start3A_114, %add3A_110] : memref<2x320000xi32, #tpu.memory_space<hbm>> -> memref<2x4992xi32, #tpu.memory_space<hbm>>
    %dma_start3A_116 = arith.constant 0 : i32
    %dma_start3A_117 = tpu.memref_slice %arg5[%dma_start3A_116, %add3A_110] : memref<2x320000xi32, #tpu.memory_space<hbm>> -> memref<2x4992xi32, #tpu.memory_space<hbm>>
    %dma_start3A_118 = arith.constant 0 : i32
    %dma_start3A_119 = arith.constant 4992 : i32
    %dma_start3A_120 = tpu.memref_slice %arg8[%dma_start3A_118, %dma_start3A_119] : memref<2x10496xi32, #tpu.memory_space<vmem>> -> memref<2x4992xi32, #tpu.memory_space<vmem>>
    tpu.enqueue_dma source(%dma_start3A_120 : memref<2x4992xi32, #tpu.memory_space<vmem>>) target(%dma_start3A_117 : memref<2x4992xi32, #tpu.memory_space<hbm>>) target_semaphore(%arg12 : memref<!tpu.dma_semaphore, #tpu.memory_space<semaphore_mem>>)
    %convert_element_type3A_121 = arith.extui %eq3A_3 : i1 to i32
    %cond3A_122 = arith.constant 0 : i32
    %cond3A_123 = arith.cmpi ne, %convert_element_type3A_121, %cond3A_122 : i32
    scf.if %cond3A_123 {
      %dma_start3A_179 = arith.constant 0 : i32
      %dma_start3A_180 = arith.constant 9984 : i32
      %dma_start3A_181 = tpu.memref_slice %arg8[%dma_start3A_179, %dma_start3A_180] : memref<2x10496xi32, #tpu.memory_space<vmem>> -> memref<2x512xi32, #tpu.memory_space<vmem>>
      %dma_start3A_182 = arith.constant 0 : i32
      %dma_start3A_183 = arith.constant 319488 : i32
      %dma_start3A_184 = tpu.memref_slice %arg5[%dma_start3A_182, %dma_start3A_183] : memref<2x320000xi32, #tpu.memory_space<hbm>> -> memref<2x512xi32, #tpu.memory_space<hbm>>
      %dma_start3A_185 = arith.constant 0 : i32
      %dma_start3A_186 = arith.constant 319488 : i32
      %dma_start3A_187 = tpu.memref_slice %arg5[%dma_start3A_185, %dma_start3A_186] : memref<2x320000xi32, #tpu.memory_space<hbm>> -> memref<2x512xi32, #tpu.memory_space<hbm>>
      %dma_start3A_188 = arith.constant 0 : i32
      %dma_start3A_189 = arith.constant 9984 : i32
      %dma_start3A_190 = tpu.memref_slice %arg8[%dma_start3A_188, %dma_start3A_189] : memref<2x10496xi32, #tpu.memory_space<vmem>> -> memref<2x512xi32, #tpu.memory_space<vmem>>
      tpu.enqueue_dma source(%dma_start3A_190 : memref<2x512xi32, #tpu.memory_space<vmem>>) target(%dma_start3A_187 : memref<2x512xi32, #tpu.memory_space<hbm>>) target_semaphore(%arg12 : memref<!tpu.dma_semaphore, #tpu.memory_space<semaphore_mem>>)
    } else {
    }
    %scan3A_124 = arith.constant 0 : i32
    %scan3A_125 = arith.constant 312 : i32
    %scan3A_126 = arith.constant 312 : i32
    %scan3A_127 = arith.addi %scan3A_125, %scan3A_126 : i32
    %scan3A_128 = arith.constant 8 : i32
    scf.for %scan3A_179 = %scan3A_125 to %scan3A_127 step %scan3A_128  : i32 {
      %mul3A_180 = arith.constant 16 : i32
      %mul3A_181 = arith.muli %scan3A_179, %mul3A_180 : i32
      %get3A = arith.constant 1 : i32
      %get3A_182 = arith.index_cast %get3A : i32 to index
      %get3A_183 = arith.index_cast %mul3A_181 : i32 to index
      %get3A_184 = tpu.vector_load %arg8[%get3A_182, %get3A_183] {strides = array<i32>} : memref<2x10496xi32, #tpu.memory_space<vmem>>, vector<16xi32>,
      %gather3A = tpu.vector_load_idx %arg7[%get3A_184] : memref<10000xf32, #tpu.memory_space<vmem>>[vector<16xi32>], vector<16xf32>,
      %get3A_185 = arith.index_cast %mul3A_181 : i32 to index
      %get3A_186 = tpu.vector_load %arg9[%get3A_185] {strides = array<i32>} : memref<10496xf32, #tpu.memory_space<vmem>>, vector<16xf32>,
      %mul3A_187 = arith.mulf %gather3A, %get3A_186 : vector<16xf32>
      %swap3A = arith.index_cast %mul3A_181 : i32 to index
      %swap3A_188 = tpu.vector_load %arg10[%swap3A] {strides = array<i32>} : memref<10496xf32, #tpu.memory_space<vmem>>, vector<16xf32>,
      tpu.vector_store %arg10[%swap3A], %mul3A_187 {strides = array<i32>} : memref<10496xf32, #tpu.memory_space<vmem>>, vector<16xf32>,
      %scan3A_189 = arith.constant 1 : i32
      %scan3A_190 = arith.addi %scan3A_179, %scan3A_189 : i32
      %mul3A_191 = arith.constant 16 : i32
      %mul3A_192 = arith.muli %scan3A_190, %mul3A_191 : i32
      %get3A_193 = arith.constant 1 : i32
      %get3A_194 = arith.index_cast %get3A_193 : i32 to index
      %get3A_195 = arith.index_cast %mul3A_192 : i32 to index
      %get3A_196 = tpu.vector_load %arg8[%get3A_194, %get3A_195] {strides = array<i32>} : memref<2x10496xi32, #tpu.memory_space<vmem>>, vector<16xi32>,
      %gather3A_197 = tpu.vector_load_idx %arg7[%get3A_196] : memref<10000xf32, #tpu.memory_space<vmem>>[vector<16xi32>], vector<16xf32>,
      %get3A_198 = arith.index_cast %mul3A_192 : i32 to index
      %get3A_199 = tpu.vector_load %arg9[%get3A_198] {strides = array<i32>} : memref<10496xf32, #tpu.memory_space<vmem>>, vector<16xf32>,
      %mul3A_200 = arith.mulf %gather3A_197, %get3A_199 : vector<16xf32>
      %swap3A_201 = arith.index_cast %mul3A_192 : i32 to index
      %swap3A_202 = tpu.vector_load %arg10[%swap3A_201] {strides = array<i32>} : memref<10496xf32, #tpu.memory_space<vmem>>, vector<16xf32>,
      tpu.vector_store %arg10[%swap3A_201], %mul3A_200 {strides = array<i32>} : memref<10496xf32, #tpu.memory_space<vmem>>, vector<16xf32>,
      %scan3A_203 = arith.constant 2 : i32
      %scan3A_204 = arith.addi %scan3A_179, %scan3A_203 : i32
      %mul3A_205 = arith.constant 16 : i32
      %mul3A_206 = arith.muli %scan3A_204, %mul3A_205 : i32
      %get3A_207 = arith.constant 1 : i32
      %get3A_208 = arith.index_cast %get3A_207 : i32 to index
      %get3A_209 = arith.index_cast %mul3A_206 : i32 to index
      %get3A_210 = tpu.vector_load %arg8[%get3A_208, %get3A_209] {strides = array<i32>} : memref<2x10496xi32, #tpu.memory_space<vmem>>, vector<16xi32>,
      %gather3A_211 = tpu.vector_load_idx %arg7[%get3A_210] : memref<10000xf32, #tpu.memory_space<vmem>>[vector<16xi32>], vector<16xf32>,
      %get3A_212 = arith.index_cast %mul3A_206 : i32 to index
      %get3A_213 = tpu.vector_load %arg9[%get3A_212] {strides = array<i32>} : memref<10496xf32, #tpu.memory_space<vmem>>, vector<16xf32>,
      %mul3A_214 = arith.mulf %gather3A_211, %get3A_213 : vector<16xf32>
      %swap3A_215 = arith.index_cast %mul3A_206 : i32 to index
      %swap3A_216 = tpu.vector_load %arg10[%swap3A_215] {strides = array<i32>} : memref<10496xf32, #tpu.memory_space<vmem>>, vector<16xf32>,
      tpu.vector_store %arg10[%swap3A_215], %mul3A_214 {strides = array<i32>} : memref<10496xf32, #tpu.memory_space<vmem>>, vector<16xf32>,
      %scan3A_217 = arith.constant 3 : i32
      %scan3A_218 = arith.addi %scan3A_179, %scan3A_217 : i32
      %mul3A_219 = arith.constant 16 : i32
      %mul3A_220 = arith.muli %scan3A_218, %mul3A_219 : i32
      %get3A_221 = arith.constant 1 : i32
      %get3A_222 = arith.index_cast %get3A_221 : i32 to index
      %get3A_223 = arith.index_cast %mul3A_220 : i32 to index
      %get3A_224 = tpu.vector_load %arg8[%get3A_222, %get3A_223] {strides = array<i32>} : memref<2x10496xi32, #tpu.memory_space<vmem>>, vector<16xi32>,
      %gather3A_225 = tpu.vector_load_idx %arg7[%get3A_224] : memref<10000xf32, #tpu.memory_space<vmem>>[vector<16xi32>], vector<16xf32>,
      %get3A_226 = arith.index_cast %mul3A_220 : i32 to index
      %get3A_227 = tpu.vector_load %arg9[%get3A_226] {strides = array<i32>} : memref<10496xf32, #tpu.memory_space<vmem>>, vector<16xf32>,
      %mul3A_228 = arith.mulf %gather3A_225, %get3A_227 : vector<16xf32>
      %swap3A_229 = arith.index_cast %mul3A_220 : i32 to index
      %swap3A_230 = tpu.vector_load %arg10[%swap3A_229] {strides = array<i32>} : memref<10496xf32, #tpu.memory_space<vmem>>, vector<16xf32>,
      tpu.vector_store %arg10[%swap3A_229], %mul3A_228 {strides = array<i32>} : memref<10496xf32, #tpu.memory_space<vmem>>, vector<16xf32>,
      %scan3A_231 = arith.constant 4 : i32
      %scan3A_232 = arith.addi %scan3A_179, %scan3A_231 : i32
      %mul3A_233 = arith.constant 16 : i32
      %mul3A_234 = arith.muli %scan3A_232, %mul3A_233 : i32
      %get3A_235 = arith.constant 1 : i32
      %get3A_236 = arith.index_cast %get3A_235 : i32 to index
      %get3A_237 = arith.index_cast %mul3A_234 : i32 to index
      %get3A_238 = tpu.vector_load %arg8[%get3A_236, %get3A_237] {strides = array<i32>} : memref<2x10496xi32, #tpu.memory_space<vmem>>, vector<16xi32>,
      %gather3A_239 = tpu.vector_load_idx %arg7[%get3A_238] : memref<10000xf32, #tpu.memory_space<vmem>>[vector<16xi32>], vector<16xf32>,
      %get3A_240 = arith.index_cast %mul3A_234 : i32 to index
      %get3A_241 = tpu.vector_load %arg9[%get3A_240] {strides = array<i32>} : memref<10496xf32, #tpu.memory_space<vmem>>, vector<16xf32>,
      %mul3A_242 = arith.mulf %gather3A_239, %get3A_241 : vector<16xf32>
      %swap3A_243 = arith.index_cast %mul3A_234 : i32 to index
      %swap3A_244 = tpu.vector_load %arg10[%swap3A_243] {strides = array<i32>} : memref<10496xf32, #tpu.memory_space<vmem>>, vector<16xf32>,
      tpu.vector_store %arg10[%swap3A_243], %mul3A_242 {strides = array<i32>} : memref<10496xf32, #tpu.memory_space<vmem>>, vector<16xf32>,
      %scan3A_245 = arith.constant 5 : i32
      %scan3A_246 = arith.addi %scan3A_179, %scan3A_245 : i32
      %mul3A_247 = arith.constant 16 : i32
      %mul3A_248 = arith.muli %scan3A_246, %mul3A_247 : i32
      %get3A_249 = arith.constant 1 : i32
      %get3A_250 = arith.index_cast %get3A_249 : i32 to index
      %get3A_251 = arith.index_cast %mul3A_248 : i32 to index
      %get3A_252 = tpu.vector_load %arg8[%get3A_250, %get3A_251] {strides = array<i32>} : memref<2x10496xi32, #tpu.memory_space<vmem>>, vector<16xi32>,
      %gather3A_253 = tpu.vector_load_idx %arg7[%get3A_252] : memref<10000xf32, #tpu.memory_space<vmem>>[vector<16xi32>], vector<16xf32>,
      %get3A_254 = arith.index_cast %mul3A_248 : i32 to index
      %get3A_255 = tpu.vector_load %arg9[%get3A_254] {strides = array<i32>} : memref<10496xf32, #tpu.memory_space<vmem>>, vector<16xf32>,
      %mul3A_256 = arith.mulf %gather3A_253, %get3A_255 : vector<16xf32>
      %swap3A_257 = arith.index_cast %mul3A_248 : i32 to index
      %swap3A_258 = tpu.vector_load %arg10[%swap3A_257] {strides = array<i32>} : memref<10496xf32, #tpu.memory_space<vmem>>, vector<16xf32>,
      tpu.vector_store %arg10[%swap3A_257], %mul3A_256 {strides = array<i32>} : memref<10496xf32, #tpu.memory_space<vmem>>, vector<16xf32>,
      %scan3A_259 = arith.constant 6 : i32
      %scan3A_260 = arith.addi %scan3A_179, %scan3A_259 : i32
      %mul3A_261 = arith.constant 16 : i32
      %mul3A_262 = arith.muli %scan3A_260, %mul3A_261 : i32
      %get3A_263 = arith.constant 1 : i32
      %get3A_264 = arith.index_cast %get3A_263 : i32 to index
      %get3A_265 = arith.index_cast %mul3A_262 : i32 to index
      %get3A_266 = tpu.vector_load %arg8[%get3A_264, %get3A_265] {strides = array<i32>} : memref<2x10496xi32, #tpu.memory_space<vmem>>, vector<16xi32>,
      %gather3A_267 = tpu.vector_load_idx %arg7[%get3A_266] : memref<10000xf32, #tpu.memory_space<vmem>>[vector<16xi32>], vector<16xf32>,
      %get3A_268 = arith.index_cast %mul3A_262 : i32 to index
      %get3A_269 = tpu.vector_load %arg9[%get3A_268] {strides = array<i32>} : memref<10496xf32, #tpu.memory_space<vmem>>, vector<16xf32>,
      %mul3A_270 = arith.mulf %gather3A_267, %get3A_269 : vector<16xf32>
      %swap3A_271 = arith.index_cast %mul3A_262 : i32 to index
      %swap3A_272 = tpu.vector_load %arg10[%swap3A_271] {strides = array<i32>} : memref<10496xf32, #tpu.memory_space<vmem>>, vector<16xf32>,
      tpu.vector_store %arg10[%swap3A_271], %mul3A_270 {strides = array<i32>} : memref<10496xf32, #tpu.memory_space<vmem>>, vector<16xf32>,
      %scan3A_273 = arith.constant 7 : i32
      %scan3A_274 = arith.addi %scan3A_179, %scan3A_273 : i32
      %mul3A_275 = arith.constant 16 : i32
      %mul3A_276 = arith.muli %scan3A_274, %mul3A_275 : i32
      %get3A_277 = arith.constant 1 : i32
      %get3A_278 = arith.index_cast %get3A_277 : i32 to index
      %get3A_279 = arith.index_cast %mul3A_276 : i32 to index
      %get3A_280 = tpu.vector_load %arg8[%get3A_278, %get3A_279] {strides = array<i32>} : memref<2x10496xi32, #tpu.memory_space<vmem>>, vector<16xi32>,
      %gather3A_281 = tpu.vector_load_idx %arg7[%get3A_280] : memref<10000xf32, #tpu.memory_space<vmem>>[vector<16xi32>], vector<16xf32>,
      %get3A_282 = arith.index_cast %mul3A_276 : i32 to index
      %get3A_283 = tpu.vector_load %arg9[%get3A_282] {strides = array<i32>} : memref<10496xf32, #tpu.memory_space<vmem>>, vector<16xf32>,
      %mul3A_284 = arith.mulf %gather3A_281, %get3A_283 : vector<16xf32>
      %swap3A_285 = arith.index_cast %mul3A_276 : i32 to index
      %swap3A_286 = tpu.vector_load %arg10[%swap3A_285] {strides = array<i32>} : memref<10496xf32, #tpu.memory_space<vmem>>, vector<16xf32>,
      tpu.vector_store %arg10[%swap3A_285], %mul3A_284 {strides = array<i32>} : memref<10496xf32, #tpu.memory_space<vmem>>, vector<16xf32>,
    }
    %scan3A_129 = arith.constant 312 : i32
    %convert_element_type3A_130 = arith.extui %eq3A_3 : i1 to i32
    %cond3A_131 = arith.constant 0 : i32
    %cond3A_132 = arith.cmpi ne, %convert_element_type3A_130, %cond3A_131 : i32
    scf.if %cond3A_132 {
      %scan3A_179 = arith.constant 0 : i32
      %scan3A_180 = arith.constant 624 : i32
      %scan3A_181 = arith.constant 32 : i32
      %scan3A_182 = arith.addi %scan3A_180, %scan3A_181 : i32
      %scan3A_183 = arith.constant 8 : i32
      scf.for %scan3A_185 = %scan3A_180 to %scan3A_182 step %scan3A_183  : i32 {
        %mul3A_186 = arith.constant 16 : i32
        %mul3A_187 = arith.muli %scan3A_185, %mul3A_186 : i32
        %get3A = arith.constant 1 : i32
        %get3A_188 = arith.index_cast %get3A : i32 to index
        %get3A_189 = arith.index_cast %mul3A_187 : i32 to index
        %get3A_190 = tpu.vector_load %arg8[%get3A_188, %get3A_189] {strides = array<i32>} : memref<2x10496xi32, #tpu.memory_space<vmem>>, vector<16xi32>,
        %gather3A = tpu.vector_load_idx %arg7[%get3A_190] : memref<10000xf32, #tpu.memory_space<vmem>>[vector<16xi32>], vector<16xf32>,
        %get3A_191 = arith.index_cast %mul3A_187 : i32 to index
        %get3A_192 = tpu.vector_load %arg9[%get3A_191] {strides = array<i32>} : memref<10496xf32, #tpu.memory_space<vmem>>, vector<16xf32>,
        %mul3A_193 = arith.mulf %gather3A, %get3A_192 : vector<16xf32>
        %swap3A = arith.index_cast %mul3A_187 : i32 to index
        %swap3A_194 = tpu.vector_load %arg10[%swap3A] {strides = array<i32>} : memref<10496xf32, #tpu.memory_space<vmem>>, vector<16xf32>,
        tpu.vector_store %arg10[%swap3A], %mul3A_193 {strides = array<i32>} : memref<10496xf32, #tpu.memory_space<vmem>>, vector<16xf32>,
        %scan3A_195 = arith.constant 1 : i32
        %scan3A_196 = arith.addi %scan3A_185, %scan3A_195 : i32
        %mul3A_197 = arith.constant 16 : i32
        %mul3A_198 = arith.muli %scan3A_196, %mul3A_197 : i32
        %get3A_199 = arith.constant 1 : i32
        %get3A_200 = arith.index_cast %get3A_199 : i32 to index
        %get3A_201 = arith.index_cast %mul3A_198 : i32 to index
        %get3A_202 = tpu.vector_load %arg8[%get3A_200, %get3A_201] {strides = array<i32>} : memref<2x10496xi32, #tpu.memory_space<vmem>>, vector<16xi32>,
        %gather3A_203 = tpu.vector_load_idx %arg7[%get3A_202] : memref<10000xf32, #tpu.memory_space<vmem>>[vector<16xi32>], vector<16xf32>,
        %get3A_204 = arith.index_cast %mul3A_198 : i32 to index
        %get3A_205 = tpu.vector_load %arg9[%get3A_204] {strides = array<i32>} : memref<10496xf32, #tpu.memory_space<vmem>>, vector<16xf32>,
        %mul3A_206 = arith.mulf %gather3A_203, %get3A_205 : vector<16xf32>
        %swap3A_207 = arith.index_cast %mul3A_198 : i32 to index
        %swap3A_208 = tpu.vector_load %arg10[%swap3A_207] {strides = array<i32>} : memref<10496xf32, #tpu.memory_space<vmem>>, vector<16xf32>,
        tpu.vector_store %arg10[%swap3A_207], %mul3A_206 {strides = array<i32>} : memref<10496xf32, #tpu.memory_space<vmem>>, vector<16xf32>,
        %scan3A_209 = arith.constant 2 : i32
        %scan3A_210 = arith.addi %scan3A_185, %scan3A_209 : i32
        %mul3A_211 = arith.constant 16 : i32
        %mul3A_212 = arith.muli %scan3A_210, %mul3A_211 : i32
        %get3A_213 = arith.constant 1 : i32
        %get3A_214 = arith.index_cast %get3A_213 : i32 to index
        %get3A_215 = arith.index_cast %mul3A_212 : i32 to index
        %get3A_216 = tpu.vector_load %arg8[%get3A_214, %get3A_215] {strides = array<i32>} : memref<2x10496xi32, #tpu.memory_space<vmem>>, vector<16xi32>,
        %gather3A_217 = tpu.vector_load_idx %arg7[%get3A_216] : memref<10000xf32, #tpu.memory_space<vmem>>[vector<16xi32>], vector<16xf32>,
        %get3A_218 = arith.index_cast %mul3A_212 : i32 to index
        %get3A_219 = tpu.vector_load %arg9[%get3A_218] {strides = array<i32>} : memref<10496xf32, #tpu.memory_space<vmem>>, vector<16xf32>,
        %mul3A_220 = arith.mulf %gather3A_217, %get3A_219 : vector<16xf32>
        %swap3A_221 = arith.index_cast %mul3A_212 : i32 to index
        %swap3A_222 = tpu.vector_load %arg10[%swap3A_221] {strides = array<i32>} : memref<10496xf32, #tpu.memory_space<vmem>>, vector<16xf32>,
        tpu.vector_store %arg10[%swap3A_221], %mul3A_220 {strides = array<i32>} : memref<10496xf32, #tpu.memory_space<vmem>>, vector<16xf32>,
        %scan3A_223 = arith.constant 3 : i32
        %scan3A_224 = arith.addi %scan3A_185, %scan3A_223 : i32
        %mul3A_225 = arith.constant 16 : i32
        %mul3A_226 = arith.muli %scan3A_224, %mul3A_225 : i32
        %get3A_227 = arith.constant 1 : i32
        %get3A_228 = arith.index_cast %get3A_227 : i32 to index
        %get3A_229 = arith.index_cast %mul3A_226 : i32 to index
        %get3A_230 = tpu.vector_load %arg8[%get3A_228, %get3A_229] {strides = array<i32>} : memref<2x10496xi32, #tpu.memory_space<vmem>>, vector<16xi32>,
        %gather3A_231 = tpu.vector_load_idx %arg7[%get3A_230] : memref<10000xf32, #tpu.memory_space<vmem>>[vector<16xi32>], vector<16xf32>,
        %get3A_232 = arith.index_cast %mul3A_226 : i32 to index
        %get3A_233 = tpu.vector_load %arg9[%get3A_232] {strides = array<i32>} : memref<10496xf32, #tpu.memory_space<vmem>>, vector<16xf32>,
        %mul3A_234 = arith.mulf %gather3A_231, %get3A_233 : vector<16xf32>
        %swap3A_235 = arith.index_cast %mul3A_226 : i32 to index
        %swap3A_236 = tpu.vector_load %arg10[%swap3A_235] {strides = array<i32>} : memref<10496xf32, #tpu.memory_space<vmem>>, vector<16xf32>,
        tpu.vector_store %arg10[%swap3A_235], %mul3A_234 {strides = array<i32>} : memref<10496xf32, #tpu.memory_space<vmem>>, vector<16xf32>,
        %scan3A_237 = arith.constant 4 : i32
        %scan3A_238 = arith.addi %scan3A_185, %scan3A_237 : i32
        %mul3A_239 = arith.constant 16 : i32
        %mul3A_240 = arith.muli %scan3A_238, %mul3A_239 : i32
        %get3A_241 = arith.constant 1 : i32
        %get3A_242 = arith.index_cast %get3A_241 : i32 to index
        %get3A_243 = arith.index_cast %mul3A_240 : i32 to index
        %get3A_244 = tpu.vector_load %arg8[%get3A_242, %get3A_243] {strides = array<i32>} : memref<2x10496xi32, #tpu.memory_space<vmem>>, vector<16xi32>,
        %gather3A_245 = tpu.vector_load_idx %arg7[%get3A_244] : memref<10000xf32, #tpu.memory_space<vmem>>[vector<16xi32>], vector<16xf32>,
        %get3A_246 = arith.index_cast %mul3A_240 : i32 to index
        %get3A_247 = tpu.vector_load %arg9[%get3A_246] {strides = array<i32>} : memref<10496xf32, #tpu.memory_space<vmem>>, vector<16xf32>,
        %mul3A_248 = arith.mulf %gather3A_245, %get3A_247 : vector<16xf32>
        %swap3A_249 = arith.index_cast %mul3A_240 : i32 to index
        %swap3A_250 = tpu.vector_load %arg10[%swap3A_249] {strides = array<i32>} : memref<10496xf32, #tpu.memory_space<vmem>>, vector<16xf32>,
        tpu.vector_store %arg10[%swap3A_249], %mul3A_248 {strides = array<i32>} : memref<10496xf32, #tpu.memory_space<vmem>>, vector<16xf32>,
        %scan3A_251 = arith.constant 5 : i32
        %scan3A_252 = arith.addi %scan3A_185, %scan3A_251 : i32
        %mul3A_253 = arith.constant 16 : i32
        %mul3A_254 = arith.muli %scan3A_252, %mul3A_253 : i32
        %get3A_255 = arith.constant 1 : i32
        %get3A_256 = arith.index_cast %get3A_255 : i32 to index
        %get3A_257 = arith.index_cast %mul3A_254 : i32 to index
        %get3A_258 = tpu.vector_load %arg8[%get3A_256, %get3A_257] {strides = array<i32>} : memref<2x10496xi32, #tpu.memory_space<vmem>>, vector<16xi32>,
        %gather3A_259 = tpu.vector_load_idx %arg7[%get3A_258] : memref<10000xf32, #tpu.memory_space<vmem>>[vector<16xi32>], vector<16xf32>,
        %get3A_260 = arith.index_cast %mul3A_254 : i32 to index
        %get3A_261 = tpu.vector_load %arg9[%get3A_260] {strides = array<i32>} : memref<10496xf32, #tpu.memory_space<vmem>>, vector<16xf32>,
        %mul3A_262 = arith.mulf %gather3A_259, %get3A_261 : vector<16xf32>
        %swap3A_263 = arith.index_cast %mul3A_254 : i32 to index
        %swap3A_264 = tpu.vector_load %arg10[%swap3A_263] {strides = array<i32>} : memref<10496xf32, #tpu.memory_space<vmem>>, vector<16xf32>,
        tpu.vector_store %arg10[%swap3A_263], %mul3A_262 {strides = array<i32>} : memref<10496xf32, #tpu.memory_space<vmem>>, vector<16xf32>,
        %scan3A_265 = arith.constant 6 : i32
        %scan3A_266 = arith.addi %scan3A_185, %scan3A_265 : i32
        %mul3A_267 = arith.constant 16 : i32
        %mul3A_268 = arith.muli %scan3A_266, %mul3A_267 : i32
        %get3A_269 = arith.constant 1 : i32
        %get3A_270 = arith.index_cast %get3A_269 : i32 to index
        %get3A_271 = arith.index_cast %mul3A_268 : i32 to index
        %get3A_272 = tpu.vector_load %arg8[%get3A_270, %get3A_271] {strides = array<i32>} : memref<2x10496xi32, #tpu.memory_space<vmem>>, vector<16xi32>,
        %gather3A_273 = tpu.vector_load_idx %arg7[%get3A_272] : memref<10000xf32, #tpu.memory_space<vmem>>[vector<16xi32>], vector<16xf32>,
        %get3A_274 = arith.index_cast %mul3A_268 : i32 to index
        %get3A_275 = tpu.vector_load %arg9[%get3A_274] {strides = array<i32>} : memref<10496xf32, #tpu.memory_space<vmem>>, vector<16xf32>,
        %mul3A_276 = arith.mulf %gather3A_273, %get3A_275 : vector<16xf32>
        %swap3A_277 = arith.index_cast %mul3A_268 : i32 to index
        %swap3A_278 = tpu.vector_load %arg10[%swap3A_277] {strides = array<i32>} : memref<10496xf32, #tpu.memory_space<vmem>>, vector<16xf32>,
        tpu.vector_store %arg10[%swap3A_277], %mul3A_276 {strides = array<i32>} : memref<10496xf32, #tpu.memory_space<vmem>>, vector<16xf32>,
        %scan3A_279 = arith.constant 7 : i32
        %scan3A_280 = arith.addi %scan3A_185, %scan3A_279 : i32
        %mul3A_281 = arith.constant 16 : i32
        %mul3A_282 = arith.muli %scan3A_280, %mul3A_281 : i32
        %get3A_283 = arith.constant 1 : i32
        %get3A_284 = arith.index_cast %get3A_283 : i32 to index
        %get3A_285 = arith.index_cast %mul3A_282 : i32 to index
        %get3A_286 = tpu.vector_load %arg8[%get3A_284, %get3A_285] {strides = array<i32>} : memref<2x10496xi32, #tpu.memory_space<vmem>>, vector<16xi32>,
        %gather3A_287 = tpu.vector_load_idx %arg7[%get3A_286] : memref<10000xf32, #tpu.memory_space<vmem>>[vector<16xi32>], vector<16xf32>,
        %get3A_288 = arith.index_cast %mul3A_282 : i32 to index
        %get3A_289 = tpu.vector_load %arg9[%get3A_288] {strides = array<i32>} : memref<10496xf32, #tpu.memory_space<vmem>>, vector<16xf32>,
        %mul3A_290 = arith.mulf %gather3A_287, %get3A_289 : vector<16xf32>
        %swap3A_291 = arith.index_cast %mul3A_282 : i32 to index
        %swap3A_292 = tpu.vector_load %arg10[%swap3A_291] {strides = array<i32>} : memref<10496xf32, #tpu.memory_space<vmem>>, vector<16xf32>,
        tpu.vector_store %arg10[%swap3A_291], %mul3A_290 {strides = array<i32>} : memref<10496xf32, #tpu.memory_space<vmem>>, vector<16xf32>,
      }
      %scan3A_184 = arith.constant 32 : i32
    } else {
    }
    %add3A_133 = arith.constant 4992 : i32
    %add3A_134 = arith.addi %mul3A_2, %add3A_133 : i32
    %dma_start3A_135 = arith.constant 4992 : i32
    %dma_start3A_136 = tpu.memref_slice %arg10[%dma_start3A_135] : memref<10496xf32, #tpu.memory_space<vmem>> -> memref<4992xf32, #tpu.memory_space<vmem>>
    %dma_start3A_137 = tpu.memref_slice %arg6[%add3A_134] : memref<320000xf32, #tpu.memory_space<hbm>> -> memref<4992xf32, #tpu.memory_space<hbm>>
    %dma_start3A_138 = tpu.memref_slice %arg6[%add3A_134] : memref<320000xf32, #tpu.memory_space<hbm>> -> memref<4992xf32, #tpu.memory_space<hbm>>
    %dma_start3A_139 = arith.constant 4992 : i32
    %dma_start3A_140 = tpu.memref_slice %arg10[%dma_start3A_139] : memref<10496xf32, #tpu.memory_space<vmem>> -> memref<4992xf32, #tpu.memory_space<vmem>>
    tpu.enqueue_dma source(%dma_start3A_140 : memref<4992xf32, #tpu.memory_space<vmem>>) target(%dma_start3A_138 : memref<4992xf32, #tpu.memory_space<hbm>>) target_semaphore(%arg12 : memref<!tpu.dma_semaphore, #tpu.memory_space<semaphore_mem>>)
    %convert_element_type3A_141 = arith.extui %eq3A_3 : i1 to i32
    %cond3A_142 = arith.constant 0 : i32
    %cond3A_143 = arith.cmpi ne, %convert_element_type3A_141, %cond3A_142 : i32
    scf.if %cond3A_143 {
      %dma_start3A_179 = arith.constant 9984 : i32
      %dma_start3A_180 = tpu.memref_slice %arg10[%dma_start3A_179] : memref<10496xf32, #tpu.memory_space<vmem>> -> memref<512xf32, #tpu.memory_space<vmem>>
      %dma_start3A_181 = arith.constant 319488 : i32
      %dma_start3A_182 = tpu.memref_slice %arg6[%dma_start3A_181] : memref<320000xf32, #tpu.memory_space<hbm>> -> memref<512xf32, #tpu.memory_space<hbm>>
      %dma_start3A_183 = arith.constant 319488 : i32
      %dma_start3A_184 = tpu.memref_slice %arg6[%dma_start3A_183] : memref<320000xf32, #tpu.memory_space<hbm>> -> memref<512xf32, #tpu.memory_space<hbm>>
      %dma_start3A_185 = arith.constant 9984 : i32
      %dma_start3A_186 = tpu.memref_slice %arg10[%dma_start3A_185] : memref<10496xf32, #tpu.memory_space<vmem>> -> memref<512xf32, #tpu.memory_space<vmem>>
      tpu.enqueue_dma source(%dma_start3A_186 : memref<512xf32, #tpu.memory_space<vmem>>) target(%dma_start3A_184 : memref<512xf32, #tpu.memory_space<hbm>>) target_semaphore(%arg12 : memref<!tpu.dma_semaphore, #tpu.memory_space<semaphore_mem>>)
    } else {
    }
    %dma_wait3A_144 = arith.constant 0 : i32
    %dma_wait3A_145 = arith.constant 0 : i32
    %dma_wait3A_146 = tpu.memref_slice %arg8[%dma_wait3A_144, %dma_wait3A_145] : memref<2x10496xi32, #tpu.memory_space<vmem>> -> memref<2x4992xi32, #tpu.memory_space<vmem>>
    %dma_wait3A_147 = arith.constant 0 : i32
    %dma_wait3A_148 = tpu.memref_slice %arg5[%dma_wait3A_147, %mul3A_2] : memref<2x320000xi32, #tpu.memory_space<hbm>> -> memref<2x4992xi32, #tpu.memory_space<hbm>>
    %dma_wait3A_149 = arith.constant 0 : i32
    %dma_wait3A_150 = tpu.memref_slice %arg5[%dma_wait3A_149, %mul3A_2] : memref<2x320000xi32, #tpu.memory_space<hbm>> -> memref<2x4992xi32, #tpu.memory_space<hbm>>
    %dma_wait3A_151 = arith.constant 0 : i32
    %dma_wait3A_152 = arith.constant 0 : i32
    %dma_wait3A_153 = tpu.memref_slice %arg8[%dma_wait3A_151, %dma_wait3A_152] : memref<2x10496xi32, #tpu.memory_space<vmem>> -> memref<2x4992xi32, #tpu.memory_space<vmem>>
    tpu.wait_dma2 semaphore(%arg12 : memref<!tpu.dma_semaphore, #tpu.memory_space<semaphore_mem>>) src(%dma_wait3A_153 : memref<2x4992xi32, #tpu.memory_space<vmem>>) dst(%dma_wait3A_150 : memref<2x4992xi32, #tpu.memory_space<hbm>>)
    %dma_wait3A_154 = arith.constant 0 : i32
    %dma_wait3A_155 = arith.constant 4992 : i32
    %dma_wait3A_156 = tpu.memref_slice %arg8[%dma_wait3A_154, %dma_wait3A_155] : memref<2x10496xi32, #tpu.memory_space<vmem>> -> memref<2x4992xi32, #tpu.memory_space<vmem>>
    %dma_wait3A_157 = arith.constant 0 : i32
    %dma_wait3A_158 = tpu.memref_slice %arg5[%dma_wait3A_157, %add3A_110] : memref<2x320000xi32, #tpu.memory_space<hbm>> -> memref<2x4992xi32, #tpu.memory_space<hbm>>
    %dma_wait3A_159 = arith.constant 0 : i32
    %dma_wait3A_160 = tpu.memref_slice %arg5[%dma_wait3A_159, %add3A_110] : memref<2x320000xi32, #tpu.memory_space<hbm>> -> memref<2x4992xi32, #tpu.memory_space<hbm>>
    %dma_wait3A_161 = arith.constant 0 : i32
    %dma_wait3A_162 = arith.constant 4992 : i32
    %dma_wait3A_163 = tpu.memref_slice %arg8[%dma_wait3A_161, %dma_wait3A_162] : memref<2x10496xi32, #tpu.memory_space<vmem>> -> memref<2x4992xi32, #tpu.memory_space<vmem>>
    tpu.wait_dma2 semaphore(%arg12 : memref<!tpu.dma_semaphore, #tpu.memory_space<semaphore_mem>>) src(%dma_wait3A_163 : memref<2x4992xi32, #tpu.memory_space<vmem>>) dst(%dma_wait3A_160 : memref<2x4992xi32, #tpu.memory_space<hbm>>)
    %dma_wait3A_164 = arith.constant 0 : i32
    %dma_wait3A_165 = tpu.memref_slice %arg10[%dma_wait3A_164] : memref<10496xf32, #tpu.memory_space<vmem>> -> memref<4992xf32, #tpu.memory_space<vmem>>
    %dma_wait3A_166 = tpu.memref_slice %arg6[%mul3A_2] : memref<320000xf32, #tpu.memory_space<hbm>> -> memref<4992xf32, #tpu.memory_space<hbm>>
    %dma_wait3A_167 = tpu.memref_slice %arg6[%mul3A_2] : memref<320000xf32, #tpu.memory_space<hbm>> -> memref<4992xf32, #tpu.memory_space<hbm>>
    %dma_wait3A_168 = arith.constant 0 : i32
    %dma_wait3A_169 = tpu.memref_slice %arg10[%dma_wait3A_168] : memref<10496xf32, #tpu.memory_space<vmem>> -> memref<4992xf32, #tpu.memory_space<vmem>>
    tpu.wait_dma2 semaphore(%arg12 : memref<!tpu.dma_semaphore, #tpu.memory_space<semaphore_mem>>) src(%dma_wait3A_169 : memref<4992xf32, #tpu.memory_space<vmem>>) dst(%dma_wait3A_167 : memref<4992xf32, #tpu.memory_space<hbm>>)
    %dma_wait3A_170 = arith.constant 4992 : i32
    %dma_wait3A_171 = tpu.memref_slice %arg10[%dma_wait3A_170] : memref<10496xf32, #tpu.memory_space<vmem>> -> memref<4992xf32, #tpu.memory_space<vmem>>
    %dma_wait3A_172 = tpu.memref_slice %arg6[%add3A_134] : memref<320000xf32, #tpu.memory_space<hbm>> -> memref<4992xf32, #tpu.memory_space<hbm>>
    %dma_wait3A_173 = tpu.memref_slice %arg6[%add3A_134] : memref<320000xf32, #tpu.memory_space<hbm>> -> memref<4992xf32, #tpu.memory_space<hbm>>
    %dma_wait3A_174 = arith.constant 4992 : i32
    %dma_wait3A_175 = tpu.memref_slice %arg10[%dma_wait3A_174] : memref<10496xf32, #tpu.memory_space<vmem>> -> memref<4992xf32, #tpu.memory_space<vmem>>
    tpu.wait_dma2 semaphore(%arg12 : memref<!tpu.dma_semaphore, #tpu.memory_space<semaphore_mem>>) src(%dma_wait3A_175 : memref<4992xf32, #tpu.memory_space<vmem>>) dst(%dma_wait3A_173 : memref<4992xf32, #tpu.memory_space<hbm>>)
    %convert_element_type3A_176 = arith.extui %eq3A_3 : i1 to i32
    %cond3A_177 = arith.constant 0 : i32
    %cond3A_178 = arith.cmpi ne, %convert_element_type3A_176, %cond3A_177 : i32
    scf.if %cond3A_178 {
      %dma_wait3A_179 = arith.constant 0 : i32
      %dma_wait3A_180 = arith.constant 9984 : i32
      %dma_wait3A_181 = tpu.memref_slice %arg8[%dma_wait3A_179, %dma_wait3A_180] : memref<2x10496xi32, #tpu.memory_space<vmem>> -> memref<2x512xi32, #tpu.memory_space<vmem>>
      %dma_wait3A_182 = arith.constant 0 : i32
      %dma_wait3A_183 = arith.constant 319488 : i32
      %dma_wait3A_184 = tpu.memref_slice %arg5[%dma_wait3A_182, %dma_wait3A_183] : memref<2x320000xi32, #tpu.memory_space<hbm>> -> memref<2x512xi32, #tpu.memory_space<hbm>>
      %dma_wait3A_185 = arith.constant 0 : i32
      %dma_wait3A_186 = arith.constant 319488 : i32
      %dma_wait3A_187 = tpu.memref_slice %arg5[%dma_wait3A_185, %dma_wait3A_186] : memref<2x320000xi32, #tpu.memory_space<hbm>> -> memref<2x512xi32, #tpu.memory_space<hbm>>
      %dma_wait3A_188 = arith.constant 0 : i32
      %dma_wait3A_189 = arith.constant 9984 : i32
      %dma_wait3A_190 = tpu.memref_slice %arg8[%dma_wait3A_188, %dma_wait3A_189] : memref<2x10496xi32, #tpu.memory_space<vmem>> -> memref<2x512xi32, #tpu.memory_space<vmem>>
      tpu.wait_dma2 semaphore(%arg12 : memref<!tpu.dma_semaphore, #tpu.memory_space<semaphore_mem>>) src(%dma_wait3A_190 : memref<2x512xi32, #tpu.memory_space<vmem>>) dst(%dma_wait3A_187 : memref<2x512xi32, #tpu.memory_space<hbm>>)
      %dma_wait3A_191 = arith.constant 9984 : i32
      %dma_wait3A_192 = tpu.memref_slice %arg10[%dma_wait3A_191] : memref<10496xf32, #tpu.memory_space<vmem>> -> memref<512xf32, #tpu.memory_space<vmem>>
      %dma_wait3A_193 = arith.constant 319488 : i32
      %dma_wait3A_194 = tpu.memref_slice %arg6[%dma_wait3A_193] : memref<320000xf32, #tpu.memory_space<hbm>> -> memref<512xf32, #tpu.memory_space<hbm>>
      %dma_wait3A_195 = arith.constant 319488 : i32
      %dma_wait3A_196 = tpu.memref_slice %arg6[%dma_wait3A_195] : memref<320000xf32, #tpu.memory_space<hbm>> -> memref<512xf32, #tpu.memory_space<hbm>>
      %dma_wait3A_197 = arith.constant 9984 : i32
      %dma_wait3A_198 = tpu.memref_slice %arg10[%dma_wait3A_197] : memref<10496xf32, #tpu.memory_space<vmem>> -> memref<512xf32, #tpu.memory_space<vmem>>
      tpu.wait_dma2 semaphore(%arg12 : memref<!tpu.dma_semaphore, #tpu.memory_space<semaphore_mem>>) src(%dma_wait3A_198 : memref<512xf32, #tpu.memory_space<vmem>>) dst(%dma_wait3A_196 : memref<512xf32, #tpu.memory_space<hbm>>)
    } else {
    }
    return
  }
}

module attributes {stable_mosaic.version = 14 : i64} {
  func.func @_diag_body(%arg0: memref<10000x128xf32, #tpu.memory_space<vmem>>, %arg1: memref<128x1xf32, #tpu.memory_space<vmem>>, %arg2: memref<1x1xf32, #tpu.memory_space<vmem>>, %arg3: memref<1x10000xf32, #tpu.memory_space<vmem>>) attributes {dimension_semantics = [], scalar_prefetch = 0 : i64, scratch_operands = 0 : i64, tpu.core_type = #tpu.core_type<tc>} {
    %get3A = arith.constant 0 : index
    %get3A_0 = arith.constant 0 : index
    %get3A_1 = vector.load %arg0[%get3A, %get3A_0] : memref<10000x128xf32, #tpu.memory_space<vmem>>, vector<10000x128xf32>
    %get3A_2 = arith.constant 0 : index
    %get3A_3 = arith.constant 0 : index
    %get3A_4 = vector.load %arg1[%get3A_2, %get3A_3] : memref<128x1xf32, #tpu.memory_space<vmem>>, vector<128x1xf32>
    %dot_general3A = arith.constant dense<0.000000e+00> : vector<10000x1xf32>
    %dot_general3A_5 = tpu.matmul %get3A_1, %get3A_4, %dot_general3A {dimension_numbers = #tpu.dot_dimension_numbers<[1], [0], [0], [1], [0, 0, 1, 1], [], []>, transpose_lhs_hint = false} : vector<10000x128xf32>, vector<128x1xf32>, vector<10000x1xf32> -> vector<10000x1xf32>
    %get3A_6 = arith.constant 0 : index
    %get3A_7 = arith.constant 0 : index
    %get3A_8 = vector.load %arg2[%get3A_6, %get3A_7] : memref<1x1xf32, #tpu.memory_space<vmem>>, vector<1x1xf32>
    %add3A = vector.broadcast %get3A_8 : vector<1x1xf32> to vector<10000x1xf32>
    %add3A_9 = arith.addf %dot_general3A_5, %add3A : vector<10000x1xf32>
    %logistic3A = arith.negf %add3A_9 : vector<10000x1xf32>
    %logistic3A_10 = math.exp %logistic3A : vector<10000x1xf32>
    %logistic3A_11 = arith.constant 1.000000e+00 : f32
    %logistic3A_12 = vector.broadcast %logistic3A_11 : f32 to vector<10000x1xf32>
    %logistic3A_13 = arith.addf %logistic3A_12, %logistic3A_10 : vector<10000x1xf32>
    %logistic3A_14 = arith.divf %logistic3A_12, %logistic3A_13 : vector<10000x1xf32>
    %transpose3A = tpu.transpose %logistic3A_14, [1, 0] : vector<10000x1xf32> -> vector<1x10000xf32>
    %swap3A = arith.constant 0 : index
    %swap3A_15 = arith.constant 0 : index
    %swap3A_16 = vector.load %arg3[%swap3A, %swap3A_15] : memref<1x10000xf32, #tpu.memory_space<vmem>>, vector<1x10000xf32>
    tpu.vector_store %arg3[%swap3A, %swap3A_15], %transpose3A {strides = array<i32>} : memref<1x10000xf32, #tpu.memory_space<vmem>>, vector<1x10000xf32>,
    return
  }
}

</mosaic_0001>

<sc_bundles>
// kernel: kernel.4.cloned.1.call-start
scs
__scs_entry_jumppad:
0x0: {  	(pc) =	sbr.rel $0x88, $3  }
0x1: {  	(tag) =	ssettag $0x0;
	lr =	simm.s32 $0x1  }
0x2: {  	[smem:$0x3F9C] =	sst lr;
	_ =	strace $0xD0000000  }
0x3: {  	_ = 	snop  }
0x4: {  	_ = 	snop  }
0x5: {  	_ = 	snop  }
0x6: {  	_ = 	snop  }
0x7: {  	_ = 	snop  }
__scs_overlays_trampoline_lowered:
0x8: {  	[smem:$0x3FAB] =	sst s0  }
0x9: {  	[smem:$0x3FAC] =	sst s1  }
0xa: {  	[smem:$0x3FAD] =	sst s2  }
0xb: {  	[smem:$0x3FAE] =	sst s3  }
0xc: {  	[smem:$0x3FAF] =	sst s4  }
0xd: {  	[smem:$0x3FB0] =	sst s5  }
0xe: {  	[smem:$0x3FB1] =	sst s6  }
0xf: {  	[smem:$0x3FB2] =	sst s7  }
0x10: {  	[smem:$0x3FB3] =	sst s8  }
0x11: {  	[smem:$0x3FB4] =	sst s9;
	s0 =	simm.s32 @!p0 $0x0  }
0x12: {  	s1 =	sld [smem:$0x3F9A];
	s0 =	simm.s32 @p0 $0x1  }
0x13: {  	[smem:$0x3FB5] =	sst s0;
	s0 =	simm.s32 @!p1 $0x0  }
0x14: {  	s2 =	sld [smem:$0x3F99];
	s0 =	simm.s32 @p1 $0x1  }
0x15: {  	[smem:$0x3FB6] =	sst s0;
	s0 =	simm.s32 @!p2 $0x0  }
0x16: {  	s3 =	sld [smem:$0x3FDB];
	s0 =	simm.s32 @p2 $0x1  }
0x17: {  	s4 =	simm.s32 $0x1BF5;
	[smem:$0x3FB8] =	sst s0  }
0x18: {  	s0 =	sld [smem:$0x3F9B];
	_ =	swait.ge [sflag:s4], $0x0  }
0x19: {  	s7 =	sld [smem:$0x3F9C]  }
0x1a: {  	s8 =	sadd.s32 $0xFFFFE003, lr  }
0x1b: {  	s9 =	sadd.s32 $0xFFFFFEF7, lr;
	s5 =	simm.s32 $0xFFFFFFFF;
	p2 =	slt.u32 s8, $0xFFFFF086  }
0x1c: {  	p1 =	slt.u32 s9, $0xF7A;
	s5 =	simm.s32 @!p2 $0x0  }
0x1d: {  	s5 =	simm.s32 @p1 $0x1;
	p0 =	seq.s32 s7, s2  }
0x1e: {  	s7 =	smul.u32 @!p0 $0xF7A, s2;
	p2 =	seq.s32 @!p0 s5, $0x0  }
0x1f: {  	s9 =	smul.u32 $0xF7A, s1;
	s8 =	simm.s32 @!p0 $0x1BF5;
	p2 =	por !p2, p0  }
0x20: {  	[sflag:s8] =	ssyncset.s32 @!p0 $0xFFFFF086;
	s6 =	sadd.s32 @!p0 s3, s7;
	s7 =	simm.s32 @!p0 $0x108  }
0x21: {  	s3 =	sadd.s32 s3, s9;
	s6 =	sadd.s32 @!p0 $0x88, s6;
	s7 =	simm.s32 @p2 $0x1082  }
0x22: {  	[simem:s7], [sflag:s8] =	dma.local @!p0 [hbm:s6], $0xF7A  }
0x23: {  	s9 =	sor.u32 $0xD0000000, s2;
	s6 =	simm.s32 $0x108;
	_ =	swait.ge @!p0 [sflag:s8], $0x0  }
0x24: {  	s3 =	sadd.s32 $0x88, s3;
	s6 =	simm.s32 @!p1 $0x1082;
	[sflag:s4] =	ssyncset.s32 $0xFFFFF086  }
0x25: {  	[simem:s6], [sflag:s4] =	dma.local [hbm:s3], $0xF7A  }
0x26: {  	[smem:$0x3F9C] =	sst s1;
	(tag) =	ssettag s2;
	_ =	strace s9  }
0x27: {  	s1 =	sld [smem:$0x3FAC]  }
0x28: {  	s2 =	sld [smem:$0x3FAD]  }
0x29: {  	s4 =	sld [smem:$0x3FAF]  }
0x2a: {  	p0 =	seq.s32 s5, $0x0;
	s5 =	sld [smem:$0x3FB0]  }
0x2b: {  	s6 =	sld [smem:$0x3FB1]  }
0x2c: {  	s7 =	sld [smem:$0x3FB2]  }
0x2d: {  	s3 =	simm.s32 $0x108;
	s8 =	sld [smem:$0x3FB3]  }
0x2e: {  	s3 =	simm.s32 @!p0 $0x1082;
	s9 =	sld [smem:$0x3FB4]  }
0x2f: {  	lr =	sadd.s32 s0, s3;
	s0 =	sld [smem:$0x3FAB]  }
0x30: {  	s3 =	sld [smem:$0x3FAE]  }
0x31: {  	[smem:$0x3FB7] =	sst s10  }
0x32: {  	s10 =	sld [smem:$0x3FB5];
	_ =	sdelay $0x3  }
0x33: {  	p0 =	seq.s32 s10, $0x1;
	s10 =	sld [smem:$0x3FB7];
	_ =	sdelay $0x3  }
0x34: {  	[smem:$0x3FB7] =	sst s10  }
0x35: {  	s10 =	sld [smem:$0x3FB6];
	_ =	sdelay $0x3  }
0x36: {  	p1 =	seq.s32 s10, $0x1;
	s10 =	sld [smem:$0x3FB7];
	_ =	sdelay $0x3  }
0x37: {  	[smem:$0x3FB7] =	sst s10  }
0x38: {  	s10 =	sld [smem:$0x3FB8]  }
0x39: {  	_ = 	snop;
	(pc) =	sbr.ind lr, $3  }
0x3a: {  	_ = 	snop  }
0x3b: {  	_ = 	snop  }
0x3c: {  	p2 =	seq.s32 s10, $0x1;
	s10 =	sld [smem:$0x3FB7]  }
0x3d: {  	_ =	shalt  }
0x3e: {  	_ =	shalt  }
0x3f: {  	_ =	shalt  }
0x40: {  	_ =	shalt  }
0x41: {  	_ =	shalt  }
0x42: {  	_ =	shalt  }
0x43: {  	_ =	shalt  }
0x44: {  	_ =	shalt  }
0x45: {  	_ =	shalt  }
0x46: {  	_ =	shalt  }
0x47: {  	_ =	shalt  }
0x48: {  	_ =	shalt  }
0x49: {  	_ =	shalt  }
0x4a: {  	_ =	shalt  }
0x4b: {  	_ =	shalt  }
0x4c: {  	_ =	shalt  }
0x4d: {  	_ =	shalt  }
0x4e: {  	_ =	shalt  }
0x4f: {  	_ =	shalt  }
0x50: {  	_ =	shalt  }
0x51: {  	_ =	shalt  }
0x52: {  	_ =	shalt  }
0x53: {  	_ =	shalt  }
0x54: {  	_ =	shalt  }
0x55: {  	_ =	shalt  }
0x56: {  	_ =	shalt  }
0x57: {  	_ =	shalt  }
0x58: {  	_ =	shalt  }
0x59: {  	_ =	shalt  }
0x5a: {  	_ =	shalt  }
0x5b: {  	_ =	shalt  }
0x5c: {  	_ =	shalt  }
0x5d: {  	_ =	shalt  }
0x5e: {  	_ =	shalt  }
0x5f: {  	_ =	shalt  }
0x60: {  	_ =	shalt  }
0x61: {  	_ =	shalt  }
0x62: {  	_ =	shalt  }
0x63: {  	_ =	shalt  }
0x64: {  	_ =	shalt  }
0x65: {  	_ =	shalt  }
0x66: {  	_ =	shalt  }
0x67: {  	_ =	shalt  }
0x68: {  	_ =	shalt  }
0x69: {  	_ =	shalt  }
0x6a: {  	_ =	shalt  }
0x6b: {  	_ =	shalt  }
0x6c: {  	_ =	shalt  }
0x6d: {  	_ =	shalt  }
0x6e: {  	_ =	shalt  }
0x6f: {  	_ =	shalt  }
0x70: {  	_ =	shalt  }
0x71: {  	_ =	shalt  }
0x72: {  	_ =	shalt  }
0x73: {  	_ =	shalt  }
0x74: {  	_ =	shalt  }
0x75: {  	_ =	shalt  }
0x76: {  	_ =	shalt  }
0x77: {  	_ =	shalt  }
0x78: {  	_ =	shalt  }
0x79: {  	_ =	shalt  }
0x7a: {  	_ =	shalt  }
0x7b: {  	_ =	shalt  }
0x7c: {  	_ =	shalt  }
0x7d: {  	_ =	shalt  }
0x7e: {  	_ =	shalt  }
0x7f: {  	_ =	shalt  }
0x80: {  	_ =	shalt  }
0x81: {  	_ =	shalt  }
0x82: {  	_ =	shalt  }
0x83: {  	_ =	shalt  }
0x84: {  	_ =	shalt  }
0x85: {  	_ =	shalt  }
0x86: {  	_ =	shalt  }
0x87: {  	_ =	shalt  }
.Lfunc_end0:
.L_simem_size_0:
called_computation_lowered:
.L_overlay_start_0:
0x88: {  	s2 =	sld [smem:$0x3FD9]  }
0x89: {  	s3 =	sld [smem:$0x3FFE];
	_ =	sdelay $0x1  }
0x8a: {  	s1 =	srdreg.scid  }
0x8b: {  	s0 =	sand.u32 $0x1, s1  }
0x8c: {  	s14 =	sshll.u32 s0, $0xA;
	s2 =	sadd.s32 s3, s2  }
0x8d: {  	s2 =	sadd.s32 s2, s14  }
0x8e: {  	[smem:$0x3FC3] =	sst s2  }
0x8f: {  	_ = 	snop  }
0x90: {  	s2 =	sld [smem:$0x3FD0];
	_ =	sdelay $0x1  }
0x91: {  	s15 =	sld [smem:$0x3FC8]  }
0x92: {  	s5 =	simm.s32 $0xA;
	s6 =	simm.s32 $0x10;
	s4 =	sld [smem:$0x3FC7]  }
0x93: {  	[smem:s6], [sflag:s5] =	dma.local [hbm:s2], $0x1  }
0x94: {  	_ =	swait.eq [sflag:s5], $0x1  }
0x95: {  	[sflag:s5] =	ssyncset.done $0x0  }
0x96: {  	s16 =	sld [smem:$0x10];
	[sflag:s5] =	ssyncadd.s32 $0xFFFFFFFF  }
0x97: {  	s17 =	sld [smem:$0x11];
	(tm) =	ssettm $0x1  }
0x98: {  	s18 =	sld [smem:$0x3FFB];
	_ =	sdelay $0x3  }
0x99: {  	_ =	strace s18  }
0x9a: {  	s6 =	sld [smem:$0x3FFC];
	_ =	sdelay $0x3  }
0x9b: {  	_ =	strace s6  }
0x9c: {  	s6 =	sld [smem:$0x3FFD];
	_ =	sdelay $0x3  }
0x9d: {  	_ =	strace s6  }
0x9e: {  	_ =	strace $0x8FFFFFFF  }
0x9f: {  	s19 =	sld [smem:$0x3FDB];
	_ =	sdelay $0x1  }
0xa0: {  	s7 =	simm.s32 $_scs_section_size  }
0xa1: {  	s8 =	simm.s32 $_size__tile_overlayer_lowered;
	s9 =	simm.s32 $_tile_overlayer_lowered  }
0xa2: {  	s22 =	simm.s32 $0x1BFF;
	s21 =	sshll.u32 s9, $0x1;
	s6 =	sadd.s32 s7, s19  }
0xa3: {  	s10 =	simm.s32 $0x0;
	s20 =	sshll.u32 s8, $0x1;
	s8 =	sadd.s32 s21, s6  }
0xa4: {  	[timem:s10], [sflag:s22] =	dma.local [hbm:s8], s20  }
0xa5: {  	_ =	swait.ge [sflag:s22], s20  }
0xa6: {  	s7 =	ssub.s32 $0x0, s20;
	[sflag:s22] =	ssyncset.done $0x0  }
0xa7: {  	[sflag:s22] =	ssyncadd.s32 s7;
	_ =	sdelay $0x1  }
0xa8: {  	s23 =	simm.s32 $0x1B8B  }
0xa9: {  	_ =	swait.ge [sflag:s23], $0x1  }
0xaa: {  	[sflag:s23] =	ssyncset.done $0x0  }
0xab: {  	s25 =	simm.s32 $0x1B8E;
	s24 =	sld [smem:$0x3FFE];
	[sflag:s23] =	ssyncadd.s32 $0xFFFFFFFF  }
0xac: {  	s26 =	simm.s32 $execute0_lowered;
	[smem:$0x3FD2] =	sst s25  }
0xad: {  	s8 =	sshll.u32 s26, $0x1;
	_ =	strace $0x80000046;
	[dreg:$0x1] =	wrdreg $0xFFFFFFFF  }
0xae: {  	s28 =	simm.s32 $_size_execute0_lowered;
	s6 =	sadd.s32 s6, s8;
	[dreg:$0x0] =	wrdreg $0x0  }
0xaf: {  	s8 =	sshll.u32 s28, $0x1;
	[dreg:$0x2] =	wrdreg s6  }
0xb0: {  	[dreg:$0x3] =	wrdreg s8  }
0xb1: {  	[dreg:$0x4] =	wrdreg $0xC0  }
0xb2: {  	_ =	task [dreg:s10], $0x5FFFF  }
0xb3: {  	[dreg:$0x1] =	wrdreg $0xFFFFFFFF  }
0xb4: {  	[dreg:$0x0] =	wrdreg $0x60  }
0xb5: {  	[dreg:$0x2] =	wrdreg s24  }
0xb6: {  	[dreg:$0x3] =	wrdreg s15  }
0xb7: {  	[dreg:$0x4] =	wrdreg s4  }
0xb8: {  	[dreg:$0x5] =	wrdreg s16  }
0xb9: {  	[dreg:$0x6] =	wrdreg s17  }
0xba: {  	[dreg:$0x7] =	wrdreg $0x9  }
0xbb: {  	_ =	task.clear_ibuf [dreg:s10], $0x8FFFF;
	_ =	strace $0x90000046  }
0xbc: {  	s29 =	simm.s32 $0x9;
	_ =	strace $0x80000048  }
0xbd: {  	_ =	swait.ge [sflag:s29], $0x1  }
0xbe: {  	[sflag:s29] =	ssyncadd.s32 $0xFFFFFFFF  }
0xbf: {  	_ =	strace $0x90000048  }
0xc0: {  	_ =	sfence  }
0xc1: {  	s30 =	sld [smem:$0x0];
	_ =	sdelay $0x2  }
0xc2: {  	s31 =	sshll.u32 s1, $0xD;
	s1 =	sshrl.u32 s1, $0x2  }
0xc3: {  	s3 =	sand.u32 $0x4000, s31;
	s1 =	sadd.s32 s1, s30  }
0xc4: {  	s0 =	sor.u32 s3, s0;
	s1 =	sshll.u32 s1, $0x11  }
0xc5: {  	s0 =	sor.u32 s1, s0  }
0xc6: {  	s0 =	sadd.s32 $0x8F2B, s0  }
0xc7: {  	[sflag:s0] =	ssyncadd.remote.s32 $0x1  }
0xc8: {  	_ =	sfence.sel $0xFFFF  }
0xc9: {  	[dreg:$0x0] =	wrdreg $0xFFFFFFFF;
	(pc) =	sbr.abs _section_cstart, $3  }
0xca: {  	[dreg:$0x1] =	wrdreg $0xFFFFFFFF  }
0xcb: {  	_ =	task.clear_ibuf [dreg:s10], $0x2FFFF;
	_ =	strace $0x9FFFFFFF  }
0xcc: {  	(tm) =	ssettm $0x7FFFFFFF  }
0xcd: {  	_ =	shalt  }
tec
execute0_lowered:
.L_overlay_start_1:
0x0: {  	(tag) =	ssettag $0x1  }
0x1: {  	s3 =	rddreg [dreg:$0x0]  }
0x2: {  	s8 =	rddreg [dreg:$0x1]  }
0x3: {  	s9 =	rddreg [dreg:$0x2]  }
0x4: {  	s13 =	rddreg [dreg:$0x3];
	s1 =	srdreg.scid  }
0x5: {  	s0 =	stileid.u32;
	s15 =	rddreg [dreg:$0x4]  }
0x6: {  	s2 =	simm.s32 $0x0;
	s18 =	simm.s32 $0x7980;
	s19 =	simm.s32 $0x4E80  }
0x7: {  	s20 =	simm.s32 $0x8D00;
	s21 =	simm.s32 $0x1;
	s22 =	simm.s32 $0xA280  }
0x8: {  	s23 =	simm.s32 $0xB600;
	s24 =	simm.s32 $0xC980;
	s25 =	simm.s32 $0x2  }
0x9: {  	s4 =	sand.u32 $0x1, s1;
	s5 =	sshll.u32 s0, $0x1;
	s1 =	rddreg [dreg:$0x5]  }
0xa: {  	s26 =	simm.s32 $0x0;
	[smem:$0x7FF] =	sst s2;
	s17 =	sor.u32 s4, s5  }
0xb: {  	s3 =	sadd.s32 $0xA00, s3;
	s4 =	ssub.s32 $0x2, s4;
	s5 =	smul.u32 $0x2700, s17  }
0xc: {  	_ =	strace $0x80000047;
	s6 =	sshrl.u32 s4, $0x1;
	s11 =	smul.u32 $0x9C0, s17  }
0xd: {  	p0 =	sne.s32 s17, $0x1F;
	s17 =	simm.s32 $0x2780;
	s16 =	ssub.s32 s4, s6  }
0xe: {  	s7 =	sadd.s32 $0x1380, s5;
	s4 =	sadd.s32 s8, s11;
	s10 =	sshrl.u32 s5, $0x3  }
.Ltmp0:
0xf: {  	s11 =	sadd.s32 s13, s11;
	s16 =	smax.u32 s16, $0x1;
	(pc) =	sbr.rel .LBB2_1-.Ltmp0, $4  }
0x10: {  	s12 =	sshrl.u32 s7, $0x2;
	s5 =	sadd.s32 s9, s10;
	s14 =	sshrl.u32 s7, $0x3  }
0x11: {  	s10 =	sadd.s32 s15, s10;
	s6 =	sadd.s32 s8, s12;
	s7 =	sadd.s32 s9, s14  }
0x12: {  	s8 =	sadd.s32 $0x13800, s8;
	s9 =	sadd.s32 $0x9C00, s9;
	s12 =	sadd.s32 s13, s12  }
0x13: {  	s13 =	sadd.s32 $0x13800, s13;
	s14 =	sadd.s32 s15, s14;
	s15 =	sadd.s32 $0x9C00, s15  }
.LBB2_7:
0x14: {  	[hbm4b:s14+s2] =	stream.linear.scatter [tilespmem:s23], [sflag:$0x2], $0x1380, $0x38;
	[tilespmem:$0xCB80] =	vst v63  }
.LBB2_8:
0x15: {  	_ =	swait.ge [sflag:s25], $0x2700  }
0x16: {  	[sflag:s25] =	ssyncset.done $0x0  }
0x17: {  	[sflag:s25] =	ssyncadd.s32 $0xFFFFD900  }
0x18: {  	_ =	swait.ge [sflag:s25], $0x2700  }
0x19: {  	[sflag:s25] =	ssyncset.done $0x0  }
0x1a: {  	[sflag:s25] =	ssyncadd.s32 $0xFFFFD900  }
0x1b: {  	_ =	swait.ge [sflag:s25], $0x1380  }
0x1c: {  	[sflag:s25] =	ssyncset.done $0x0  }
0x1d: {  	[sflag:s25] =	ssyncadd.s32 $0xFFFFEC80  }
0x1e: {  	_ =	swait.ge [sflag:s25], $0x1380  }
0x1f: {  	[sflag:s25] =	ssyncset.done $0x0  }
0x20: {  	s28 =	simm.s32 @!p0 $0x2;
	s26 =	sadd.s32 $0x1, s26;
	[sflag:s25] =	ssyncadd.s32 $0xFFFFEC80  }
0x21: {  	p1 =	sne.s32 s26, s16;
	_ =	swait.ge @!p0 [sflag:s28], $0x400  }
.Ltmp1:
0x22: {  	[sflag:s28] =	ssyncset.done @!p0 $0x0;
	(pc) =	sbr.rel @!p1 .LBB2_9-.Ltmp1, $4  }
0x23: {  	[sflag:s28] =	ssyncadd.s32 @!p0 $0xFFFFFC00  }
0x24: {  	_ =	swait.ge @!p0 [sflag:s28], $0x200  }
0x25: {  	[sflag:s28] =	ssyncset.done @!p0 $0x0  }
0x26: {  	[sflag:s28] =	ssyncadd.s32 @!p0 $0xFFFFFE00  }
.LBB2_1:
0x27: {  	[tilespmem:s2], [sflag:$0x1] =	stream.linear.gather [hbm4b:s3+s2], $0x2780, $0x38;
	[tilespmem:$0xCB80] =	vst v63  }
0x28: {  	_ = 	snop  }
0x29: {  	[tilespmem:s17], [sflag:$0x1] =	stream.linear.gather [hbm4b:s4+s2], $0x2700, $0x38;
	[tilespmem:$0xCB80] =	vst v63  }
0x2a: {  	_ = 	snop  }
0x2b: {  	[tilespmem:s18], [sflag:$0x1] =	stream.linear.gather [hbm4b:s5+s2], $0x1380, $0x38;
	[tilespmem:$0xCB80] =	vst v63  }
0x2c: {  	_ = 	snop  }
0x2d: {  	[tilespmem:s19], [sflag:$0x1] =	stream.linear.gather [hbm4b:s6+s2], $0x2700, $0x38;
	[tilespmem:$0xCB80] =	vst v63  }
0x2e: {  	_ = 	snop  }
0x2f: {  	[tilespmem:s20], [sflag:$0x1] =	stream.linear.gather [hbm4b:s7+s2], $0x1380, $0x38;
	[tilespmem:$0xCB80] =	vst v63  }
0x30: {  	s28 =	simm.s32 @!p0 $0x0;
	s29 =	simm.s32 @!p0 $0x7580  }
0x31: {  	[tilespmem:s29], [sflag:$0x1] =	stream.linear.gather @!p0 [hbm4b:s8+s28], $0x400, $0x38;
	[tilespmem:$0xCB80] =	vst v63  }
0x32: {  	s29 =	simm.s32 @!p0 $0xA080  }
0x33: {  	[tilespmem:s29], [sflag:$0x1] =	stream.linear.gather @!p0 [hbm4b:s9+s28], $0x200, $0x38;
	[tilespmem:$0xCB80] =	vst v63  }
0x34: {  	_ =	swait.ge [sflag:s21], $0x2780  }
0x35: {  	[sflag:s21] =	ssyncset.done $0x0  }
0x36: {  	[sflag:s21] =	ssyncadd.s32 $0xFFFFD880  }
0x37: {  	_ =	swait.ge [sflag:s21], $0x2700  }
0x38: {  	[sflag:s21] =	ssyncset.done $0x0  }
0x39: {  	[sflag:s21] =	ssyncadd.s32 $0xFFFFD900  }
0x3a: {  	_ =	swait.ge [sflag:s21], $0x1380  }
0x3b: {  	s30 =	simm.s32 $0xA2C0;
	s31 =	simm.s32 $0x79C0;
	[sflag:s21] =	ssyncset.done $0x0  }
0x3c: {  	s28 =	simm.s32 $0xFFFFFFF8;
	s29 =	simm.s32 $0x2870;
	[sflag:s21] =	ssyncadd.s32 $0xFFFFEC80  }
.LBB2_2:
0x3d: {  	v0 =	vld [tilespmem:s29+$0xFFFFFF90];
	_ =	sdelay $0x6  }
0x3e: {  	v1 =	vld [tilespmem:s31+$0xFFFFFFC0]  }
0x3f: {  	v0 =	vld.idx.msk [tilespmem:v0+s2+$0x0], $0xffff;
	_ =	sdelay $0x4  }
0x40: {  	v0 =	vmul.f32 v1, v0;
	_ =	sdelay $0x1  }
0x41: {  	[tilespmem:s30+$0xFFFFFFC0] =	vst v0  }
0x42: {  	v0 =	vld [tilespmem:s29+$0xFFFFFFA0];
	_ =	sdelay $0x6  }
0x43: {  	v57 =	vld [tilespmem:s31+$0xFFFFFFD0]  }
0x44: {  	v0 =	vld.idx.msk [tilespmem:v0+s2+$0x0], $0xffff;
	_ =	sdelay $0x4  }
0x45: {  	v0 =	vmul.f32 v57, v0;
	_ =	sdelay $0x1  }
0x46: {  	[tilespmem:s30+$0xFFFFFFD0] =	vst v0  }
0x47: {  	v0 =	vld [tilespmem:s29+$0xFFFFFFB0];
	_ =	sdelay $0x6  }
0x48: {  	v58 =	vld [tilespmem:s31+$0xFFFFFFE0]  }
0x49: {  	v0 =	vld.idx.msk [tilespmem:v0+s2+$0x0], $0xffff;
	_ =	sdelay $0x4  }
0x4a: {  	v0 =	vmul.f32 v58, v0;
	_ =	sdelay $0x1  }
0x4b: {  	[tilespmem:s30+$0xFFFFFFE0] =	vst v0  }
0x4c: {  	v0 =	vld [tilespmem:s29+$0xFFFFFFC0];
	_ =	sdelay $0x6  }
0x4d: {  	v59 =	vld [tilespmem:s31+$0xFFFFFFF0]  }
0x4e: {  	v0 =	vld.idx.msk [tilespmem:v0+s2+$0x0], $0xffff;
	_ =	sdelay $0x4  }
0x4f: {  	v0 =	vmul.f32 v59, v0;
	_ =	sdelay $0x1  }
0x50: {  	[tilespmem:s30+$0xFFFFFFF0] =	vst v0  }
0x51: {  	v0 =	vld [tilespmem:s29+$0xFFFFFFD0];
	_ =	sdelay $0x6  }
0x52: {  	v60 =	vld [tilespmem:s31+$0x0]  }
0x53: {  	v0 =	vld.idx.msk [tilespmem:v0+s2+$0x0], $0xffff;
	_ =	sdelay $0x4  }
0x54: {  	v0 =	vmul.f32 v60, v0;
	_ =	sdelay $0x1  }
0x55: {  	[tilespmem:s30+$0x0] =	vst v0  }
0x56: {  	v0 =	vld [tilespmem:s29+$0xFFFFFFE0];
	_ =	sdelay $0x6  }
0x57: {  	v61 =	vld [tilespmem:s31+$0x10]  }
0x58: {  	v0 =	vld.idx.msk [tilespmem:v0+s2+$0x0], $0xffff;
	_ =	sdelay $0x4  }
0x59: {  	v0 =	vmul.f32 v61, v0;
	_ =	sdelay $0x1  }
0x5a: {  	[tilespmem:s30+$0x10] =	vst v0  }
0x5b: {  	v0 =	vld [tilespmem:s29+$0xFFFFFFF0];
	_ =	sdelay $0x6  }
0x5c: {  	v62 =	vld [tilespmem:s31+$0x20]  }
0x5d: {  	v0 =	vld.idx.msk [tilespmem:v0+s2+$0x0], $0xffff;
	_ =	sdelay $0x4  }
0x5e: {  	v0 =	vmul.f32 v62, v0;
	_ =	sdelay $0x1  }
0x5f: {  	[tilespmem:s30+$0x20] =	vst v0  }
0x60: {  	v0 =	vld [tilespmem:s29+$0x0];
	_ =	sdelay $0x6  }
0x61: {  	v63 =	vld [tilespmem:s31+$0x30]  }
0x62: {  	v0 =	vld.idx.msk [tilespmem:v0+s2+$0x0], $0xffff  }
0x63: {  	s28 =	sadd.s32 $0x8, s28  }
0x64: {  	p1 =	slt.u32 s28, $0x130  }
.Ltmp2:
0x65: {  	_ = 	snop;
	(pc) =	sbr.rel @p1 .LBB2_2-.Ltmp2, $3  }
0x66: {  	_ = 	snop  }
0x67: {  	v0 =	vmul.f32 v63, v0;
	_ =	sdelay $0x1  }
0x68: {  	s29 =	sadd.s32 $0x100, s29;
	s31 =	sadd.s32 $0x80, s31;
	[tilespmem:s30+$0x30] =	vst v0;
	s30 =	sadd.s32 $0x80, s30  }
0x69: {  	[hbm4b:s10+s2] =	stream.linear.scatter [tilespmem:s22], [sflag:$0x2], $0x1380, $0x38;
	[tilespmem:$0xCB80] =	vst v63  }
0x6a: {  	_ = 	snop  }
0x6b: {  	[hbm4b:s11+s2] =	stream.linear.scatter [tilespmem:s17], [sflag:$0x2], $0x2700, $0x38;
	[tilespmem:$0xCB80] =	vst v63  }
0x6c: {  	_ =	swait.ge [sflag:s21], $0x2700  }
0x6d: {  	[sflag:s21] =	ssyncset.done $0x0  }
0x6e: {  	[sflag:s21] =	ssyncadd.s32 $0xFFFFD900  }
0x6f: {  	_ =	swait.ge [sflag:s21], $0x1380  }
0x70: {  	[sflag:s21] =	ssyncset.done $0x0  }
0x71: {  	s28 =	simm.s32 @p0 $0x0;
	s29 =	simm.s32 @p0 $0x4E80;
	[sflag:s21] =	ssyncadd.s32 $0xFFFFEC80  }
0x72: {  	[hbm4b:s12+s28] =	stream.linear.scatter @p0 [tilespmem:s29], [sflag:$0x2], $0x2700, $0x38;
	[tilespmem:$0xCB80] =	vst v63  }
0x73: {  	s28 =	simm.s32 @!p0 $0x1  }
0x74: {  	_ =	swait.ge @!p0 [sflag:s28], $0x400  }
0x75: {  	[sflag:s28] =	ssyncset.done @!p0 $0x0  }
0x76: {  	[sflag:s28] =	ssyncadd.s32 @!p0 $0xFFFFFC00  }
0x77: {  	_ =	swait.ge @!p0 [sflag:s28], $0x200  }
0x78: {  	[sflag:s28] =	ssyncset.done @!p0 $0x0  }
0x79: {  	s29 =	simm.s32 @!p0 $0x4E80;
	[sflag:s28] =	ssyncadd.s32 @!p0 $0xFFFFFE00;
	s28 =	simm.s32 @!p0 $0x0  }
0x7a: {  	[hbm4b:s12+s28] =	stream.linear.scatter @!p0 [tilespmem:s29], [sflag:$0x2], $0x2700, $0x38;
	[tilespmem:$0xCB80] =	vst v63  }
0x7b: {  	s30 =	simm.s32 $0xB670;
	s29 =	simm.s32 @!p0 $0x7580  }
0x7c: {  	[hbm4b:s13+s28] =	stream.linear.scatter @!p0 [tilespmem:s29], [sflag:$0x2], $0x400, $0x38;
	[tilespmem:$0xCB80] =	vst v63  }
0x7d: {  	s31 =	simm.s32 $0x8D70;
	s28 =	simm.s32 $0x130;
	s29 =	simm.s32 $0x4F70  }
.LBB2_4:
0x7e: {  	v0 =	vld [tilespmem:s29+$0xFFFFFF90];
	_ =	sdelay $0x6  }
0x7f: {  	v1 =	vld [tilespmem:s31+$0xFFFFFF90]  }
0x80: {  	v0 =	vld.idx.msk [tilespmem:v0+s2+$0x0], $0xffff;
	_ =	sdelay $0x4  }
0x81: {  	v0 =	vmul.f32 v1, v0;
	_ =	sdelay $0x1  }
0x82: {  	[tilespmem:s30+$0xFFFFFF90] =	vst v0  }
0x83: {  	v0 =	vld [tilespmem:s29+$0xFFFFFFA0];
	_ =	sdelay $0x6  }
0x84: {  	v57 =	vld [tilespmem:s31+$0xFFFFFFA0]  }
0x85: {  	v0 =	vld.idx.msk [tilespmem:v0+s2+$0x0], $0xffff;
	_ =	sdelay $0x4  }
0x86: {  	v0 =	vmul.f32 v57, v0;
	_ =	sdelay $0x1  }
0x87: {  	[tilespmem:s30+$0xFFFFFFA0] =	vst v0  }
0x88: {  	v0 =	vld [tilespmem:s29+$0xFFFFFFB0];
	_ =	sdelay $0x6  }
0x89: {  	v58 =	vld [tilespmem:s31+$0xFFFFFFB0]  }
0x8a: {  	v0 =	vld.idx.msk [tilespmem:v0+s2+$0x0], $0xffff;
	_ =	sdelay $0x4  }
0x8b: {  	v0 =	vmul.f32 v58, v0;
	_ =	sdelay $0x1  }
0x8c: {  	[tilespmem:s30+$0xFFFFFFB0] =	vst v0  }
0x8d: {  	v0 =	vld [tilespmem:s29+$0xFFFFFFC0];
	_ =	sdelay $0x6  }
0x8e: {  	v59 =	vld [tilespmem:s31+$0xFFFFFFC0]  }
0x8f: {  	v0 =	vld.idx.msk [tilespmem:v0+s2+$0x0], $0xffff;
	_ =	sdelay $0x4  }
0x90: {  	v0 =	vmul.f32 v59, v0;
	_ =	sdelay $0x1  }
0x91: {  	[tilespmem:s30+$0xFFFFFFC0] =	vst v0  }
0x92: {  	v0 =	vld [tilespmem:s29+$0xFFFFFFD0];
	_ =	sdelay $0x6  }
0x93: {  	v60 =	vld [tilespmem:s31+$0xFFFFFFD0]  }
0x94: {  	v0 =	vld.idx.msk [tilespmem:v0+s2+$0x0], $0xffff;
	_ =	sdelay $0x4  }
0x95: {  	v0 =	vmul.f32 v60, v0;
	_ =	sdelay $0x1  }
0x96: {  	[tilespmem:s30+$0xFFFFFFD0] =	vst v0  }
0x97: {  	v0 =	vld [tilespmem:s29+$0xFFFFFFE0];
	_ =	sdelay $0x6  }
0x98: {  	v61 =	vld [tilespmem:s31+$0xFFFFFFE0]  }
0x99: {  	v0 =	vld.idx.msk [tilespmem:v0+s2+$0x0], $0xffff;
	_ =	sdelay $0x4  }
0x9a: {  	v0 =	vmul.f32 v61, v0;
	_ =	sdelay $0x1  }
0x9b: {  	[tilespmem:s30+$0xFFFFFFE0] =	vst v0  }
0x9c: {  	v0 =	vld [tilespmem:s29+$0xFFFFFFF0];
	_ =	sdelay $0x6  }
0x9d: {  	v62 =	vld [tilespmem:s31+$0xFFFFFFF0]  }
0x9e: {  	v0 =	vld.idx.msk [tilespmem:v0+s2+$0x0], $0xffff;
	_ =	sdelay $0x4  }
0x9f: {  	v0 =	vmul.f32 v62, v0;
	_ =	sdelay $0x1  }
0xa0: {  	[tilespmem:s30+$0xFFFFFFF0] =	vst v0  }
0xa1: {  	v0 =	vld [tilespmem:s29+$0x0];
	_ =	sdelay $0x6  }
0xa2: {  	v63 =	vld [tilespmem:s31+$0x0]  }
0xa3: {  	v0 =	vld.idx.msk [tilespmem:v0+s2+$0x0], $0xffff  }
0xa4: {  	s28 =	sadd.s32 $0x8, s28  }
0xa5: {  	p1 =	slt.u32 s28, $0x268  }
.Ltmp3:
0xa6: {  	_ = 	snop;
	(pc) =	sbr.rel @p1 .LBB2_4-.Ltmp3, $3  }
0xa7: {  	_ = 	snop  }
0xa8: {  	v0 =	vmul.f32 v63, v0;
	_ =	sdelay $0x1  }
0xa9: {  	s29 =	sadd.s32 $0x100, s29;
	s31 =	sadd.s32 $0x80, s31;
	[tilespmem:s30+$0x0] =	vst v0;
	s30 =	sadd.s32 $0x80, s30  }
.Ltmp4:
0xaa: {  	(pc) =	sbr.rel @p0 .LBB2_7-.Ltmp4, $1  }
0xab: {  	_ =	sdelay $0x3  }
0xac: {  	v0 =	vld [tilespmem:$0x7600];
	_ =	sdelay $0x5  }
0xad: {  	v1 =	vld [tilespmem:$0xA080]  }
0xae: {  	v2 =	vld [tilespmem:$0x7610]  }
0xaf: {  	v0 =	vld.idx.msk [tilespmem:v0+s2+$0x0], $0xffff;
	_ =	sdelay $0x4  }
0xb0: {  	v0 =	vmul.f32 v1, v0  }
0xb1: {  	v63 =	vld [tilespmem:$0xA090]  }
0xb2: {  	v4 =	vld [tilespmem:$0x7620];
	[tilespmem:$0xC980] =	vst v0  }
0xb3: {  	v0 =	vld.idx.msk [tilespmem:v2+s2+$0x0], $0xffff;
	_ =	sdelay $0x4  }
0xb4: {  	v0 =	vmul.f32 v63, v0  }
0xb5: {  	v5 =	vld [tilespmem:$0xA0A0]  }
0xb6: {  	v6 =	vld [tilespmem:$0x7630];
	[tilespmem:$0xC990] =	vst v0  }
0xb7: {  	v0 =	vld.idx.msk [tilespmem:v4+s2+$0x0], $0xffff;
	_ =	sdelay $0x4  }
0xb8: {  	v0 =	vmul.f32 v5, v0  }
0xb9: {  	v7 =	vld [tilespmem:$0xA0B0]  }
0xba: {  	v8 =	vld [tilespmem:$0x7640];
	[tilespmem:$0xC9A0] =	vst v0  }
0xbb: {  	v0 =	vld.idx.msk [tilespmem:v6+s2+$0x0], $0xffff;
	_ =	sdelay $0x4  }
0xbc: {  	v0 =	vmul.f32 v7, v0  }
0xbd: {  	v9 =	vld [tilespmem:$0xA0C0]  }
0xbe: {  	v10 =	vld [tilespmem:$0x7650];
	[tilespmem:$0xC9B0] =	vst v0  }
0xbf: {  	v0 =	vld.idx.msk [tilespmem:v8+s2+$0x0], $0xffff;
	_ =	sdelay $0x4  }
0xc0: {  	v0 =	vmul.f32 v9, v0  }
0xc1: {  	v11 =	vld [tilespmem:$0xA0D0]  }
0xc2: {  	v12 =	vld [tilespmem:$0x7660];
	[tilespmem:$0xC9C0] =	vst v0  }
0xc3: {  	v0 =	vld.idx.msk [tilespmem:v10+s2+$0x0], $0xffff;
	_ =	sdelay $0x4  }
0xc4: {  	v0 =	vmul.f32 v11, v0  }
0xc5: {  	v13 =	vld [tilespmem:$0xA0E0]  }
0xc6: {  	v14 =	vld [tilespmem:$0x7670];
	[tilespmem:$0xC9D0] =	vst v0  }
0xc7: {  	v0 =	vld.idx.msk [tilespmem:v12+s2+$0x0], $0xffff;
	_ =	sdelay $0x4  }
0xc8: {  	v0 =	vmul.f32 v13, v0  }
0xc9: {  	v15 =	vld [tilespmem:$0xA0F0]  }
0xca: {  	v16 =	vld [tilespmem:$0x7700];
	[tilespmem:$0xC9E0] =	vst v0  }
0xcb: {  	v0 =	vld.idx.msk [tilespmem:v14+s2+$0x0], $0xffff;
	_ =	sdelay $0x4  }
0xcc: {  	v0 =	vmul.f32 v15, v0  }
0xcd: {  	v17 =	vld [tilespmem:$0xA100]  }
0xce: {  	v18 =	vld [tilespmem:$0x7710];
	[tilespmem:$0xC9F0] =	vst v0  }
0xcf: {  	v0 =	vld.idx.msk [tilespmem:v16+s2+$0x0], $0xffff;
	_ =	sdelay $0x4  }
0xd0: {  	v0 =	vmul.f32 v17, v0  }
0xd1: {  	v19 =	vld [tilespmem:$0xA110]  }
0xd2: {  	v20 =	vld [tilespmem:$0x7720];
	[tilespmem:$0xCA00] =	vst v0  }
0xd3: {  	v0 =	vld.idx.msk [tilespmem:v18+s2+$0x0], $0xffff;
	_ =	sdelay $0x4  }
0xd4: {  	v0 =	vmul.f32 v19, v0  }
0xd5: {  	v21 =	vld [tilespmem:$0xA120]  }
0xd6: {  	v22 =	vld [tilespmem:$0x7730];
	[tilespmem:$0xCA10] =	vst v0  }
0xd7: {  	v0 =	vld.idx.msk [tilespmem:v20+s2+$0x0], $0xffff;
	_ =	sdelay $0x4  }
0xd8: {  	v0 =	vmul.f32 v21, v0  }
0xd9: {  	v23 =	vld [tilespmem:$0xA130]  }
0xda: {  	v24 =	vld [tilespmem:$0x7740];
	[tilespmem:$0xCA20] =	vst v0  }
0xdb: {  	v0 =	vld.idx.msk [tilespmem:v22+s2+$0x0], $0xffff;
	_ =	sdelay $0x4  }
0xdc: {  	v0 =	vmul.f32 v23, v0  }
0xdd: {  	v25 =	vld [tilespmem:$0xA140]  }
0xde: {  	v26 =	vld [tilespmem:$0x7750];
	[tilespmem:$0xCA30] =	vst v0  }
0xdf: {  	v0 =	vld.idx.msk [tilespmem:v24+s2+$0x0], $0xffff;
	_ =	sdelay $0x4  }
0xe0: {  	v0 =	vmul.f32 v25, v0  }
0xe1: {  	v27 =	vld [tilespmem:$0xA150]  }
0xe2: {  	v28 =	vld [tilespmem:$0x7760];
	[tilespmem:$0xCA40] =	vst v0  }
0xe3: {  	v0 =	vld.idx.msk [tilespmem:v26+s2+$0x0], $0xffff;
	_ =	sdelay $0x4  }
0xe4: {  	v0 =	vmul.f32 v27, v0  }
0xe5: {  	v29 =	vld [tilespmem:$0xA160]  }
0xe6: {  	v30 =	vld [tilespmem:$0x7770];
	[tilespmem:$0xCA50] =	vst v0  }
0xe7: {  	v0 =	vld.idx.msk [tilespmem:v28+s2+$0x0], $0xffff;
	_ =	sdelay $0x4  }
0xe8: {  	v0 =	vmul.f32 v29, v0  }
0xe9: {  	v31 =	vld [tilespmem:$0xA170]  }
0xea: {  	v32 =	vld [tilespmem:$0x7800];
	[tilespmem:$0xCA60] =	vst v0  }
0xeb: {  	v0 =	vld.idx.msk [tilespmem:v30+s2+$0x0], $0xffff;
	_ =	sdelay $0x4  }
0xec: {  	v0 =	vmul.f32 v31, v0  }
0xed: {  	v33 =	vld [tilespmem:$0xA180]  }
0xee: {  	v34 =	vld [tilespmem:$0x7810];
	[tilespmem:$0xCA70] =	vst v0  }
0xef: {  	v0 =	vld.idx.msk [tilespmem:v32+s2+$0x0], $0xffff;
	_ =	sdelay $0x4  }
0xf0: {  	v0 =	vmul.f32 v33, v0  }
0xf1: {  	v35 =	vld [tilespmem:$0xA190]  }
0xf2: {  	v36 =	vld [tilespmem:$0x7820];
	[tilespmem:$0xCA80] =	vst v0  }
0xf3: {  	v0 =	vld.idx.msk [tilespmem:v34+s2+$0x0], $0xffff;
	_ =	sdelay $0x4  }
0xf4: {  	v0 =	vmul.f32 v35, v0  }
0xf5: {  	v37 =	vld [tilespmem:$0xA1A0]  }
0xf6: {  	v38 =	vld [tilespmem:$0x7830];
	[tilespmem:$0xCA90] =	vst v0  }
0xf7: {  	v0 =	vld.idx.msk [tilespmem:v36+s2+$0x0], $0xffff;
	_ =	sdelay $0x4  }
0xf8: {  	v0 =	vmul.f32 v37, v0  }
0xf9: {  	v39 =	vld [tilespmem:$0xA1B0]  }
0xfa: {  	v40 =	vld [tilespmem:$0x7840];
	[tilespmem:$0xCAA0] =	vst v0  }
0xfb: {  	v0 =	vld.idx.msk [tilespmem:v38+s2+$0x0], $0xffff;
	_ =	sdelay $0x4  }
0xfc: {  	v0 =	vmul.f32 v39, v0  }
0xfd: {  	v41 =	vld [tilespmem:$0xA1C0]  }
0xfe: {  	v42 =	vld [tilespmem:$0x7850];
	[tilespmem:$0xCAB0] =	vst v0  }
0xff: {  	v0 =	vld.idx.msk [tilespmem:v40+s2+$0x0], $0xffff;
	_ =	sdelay $0x4  }
0x100: {  	v0 =	vmul.f32 v41, v0  }
0x101: {  	v43 =	vld [tilespmem:$0xA1D0]  }
0x102: {  	v44 =	vld [tilespmem:$0x7860];
	[tilespmem:$0xCAC0] =	vst v0  }
0x103: {  	v0 =	vld.idx.msk [tilespmem:v42+s2+$0x0], $0xffff;
	_ =	sdelay $0x4  }
0x104: {  	v0 =	vmul.f32 v43, v0  }
0x105: {  	v45 =	vld [tilespmem:$0xA1E0]  }
0x106: {  	v46 =	vld [tilespmem:$0x7870];
	[tilespmem:$0xCAD0] =	vst v0  }
0x107: {  	v0 =	vld.idx.msk [tilespmem:v44+s2+$0x0], $0xffff;
	_ =	sdelay $0x4  }
0x108: {  	v0 =	vmul.f32 v45, v0  }
0x109: {  	v47 =	vld [tilespmem:$0xA1F0]  }
0x10a: {  	v48 =	vld [tilespmem:$0x7900];
	[tilespmem:$0xCAE0] =	vst v0  }
0x10b: {  	v0 =	vld.idx.msk [tilespmem:v46+s2+$0x0], $0xffff;
	_ =	sdelay $0x4  }
0x10c: {  	v0 =	vmul.f32 v47, v0  }
0x10d: {  	v49 =	vld [tilespmem:$0xA200]  }
0x10e: {  	v50 =	vld [tilespmem:$0x7910];
	[tilespmem:$0xCAF0] =	vst v0  }
0x10f: {  	v0 =	vld.idx.msk [tilespmem:v48+s2+$0x0], $0xffff;
	_ =	sdelay $0x4  }
0x110: {  	v0 =	vmul.f32 v49, v0  }
0x111: {  	v51 =	vld [tilespmem:$0xA210]  }
0x112: {  	v52 =	vld [tilespmem:$0x7920];
	[tilespmem:$0xCB00] =	vst v0  }
0x113: {  	v0 =	vld.idx.msk [tilespmem:v50+s2+$0x0], $0xffff;
	_ =	sdelay $0x4  }
0x114: {  	v0 =	vmul.f32 v51, v0  }
0x115: {  	v53 =	vld [tilespmem:$0xA220]  }
0x116: {  	v54 =	vld [tilespmem:$0x7930];
	[tilespmem:$0xCB10] =	vst v0  }
0x117: {  	v0 =	vld.idx.msk [tilespmem:v52+s2+$0x0], $0xffff;
	_ =	sdelay $0x4  }
0x118: {  	v0 =	vmul.f32 v53, v0  }
0x119: {  	v55 =	vld [tilespmem:$0xA230]  }
0x11a: {  	v56 =	vld [tilespmem:$0x7940];
	[tilespmem:$0xCB20] =	vst v0  }
0x11b: {  	v0 =	vld.idx.msk [tilespmem:v54+s2+$0x0], $0xffff;
	_ =	sdelay $0x4  }
0x11c: {  	v0 =	vmul.f32 v55, v0  }
0x11d: {  	v57 =	vld [tilespmem:$0xA240]  }
0x11e: {  	v58 =	vld [tilespmem:$0x7950];
	[tilespmem:$0xCB30] =	vst v0  }
0x11f: {  	v0 =	vld.idx.msk [tilespmem:v56+s2+$0x0], $0xffff;
	_ =	sdelay $0x4  }
0x120: {  	v0 =	vmul.f32 v57, v0  }
0x121: {  	v59 =	vld [tilespmem:$0xA250]  }
0x122: {  	v60 =	vld [tilespmem:$0x7960];
	[tilespmem:$0xCB40] =	vst v0  }
0x123: {  	v0 =	vld.idx.msk [tilespmem:v58+s2+$0x0], $0xffff;
	_ =	sdelay $0x4  }
0x124: {  	v0 =	vmul.f32 v59, v0  }
0x125: {  	v61 =	vld [tilespmem:$0xA260]  }
0x126: {  	v62 =	vld [tilespmem:$0x7970];
	[tilespmem:$0xCB50] =	vst v0  }
0x127: {  	v0 =	vld.idx.msk [tilespmem:v60+s2+$0x0], $0xffff;
	_ =	sdelay $0x4  }
0x128: {  	v0 =	vmul.f32 v61, v0;
	_ =	sdelay $0x1  }
0x129: {  	v63 =	vld [tilespmem:$0xA270];
	[tilespmem:$0xCB60] =	vst v0  }
0x12a: {  	v0 =	vld.idx.msk [tilespmem:v62+s2+$0x0], $0xffff;
	_ =	sdelay $0x4  }
0x12b: {  	v0 =	vmul.f32 v63, v0  }
.Ltmp5:
0x12c: {  	_ = 	snop;
	(pc) =	sbr.rel .LBB2_8-.Ltmp5, $4  }
0x12d: {  	[tilespmem:$0xCB70] =	vst v0  }
0x12e: {  	[hbm4b:s14+s2] =	stream.linear.scatter [tilespmem:s23], [sflag:$0x2], $0x1380, $0x38;
	[tilespmem:$0xCB80] =	vst v63  }
0x12f: {  	_ = 	snop  }
0x130: {  	[hbm4b:s15+s2] =	stream.linear.scatter [tilespmem:s24], [sflag:$0x2], $0x200, $0x38;
	[tilespmem:$0xCB80] =	vst v63  }
.LBB2_9:
0x131: {  	_ =	sfence.sel $0x180000  }
0x132: {  	[bflag:$0x0] =	sbarrier.arrive $0xFFFF  }
0x133: {  	p0 =	sne.s32 s0, $0x0;
	_ =	strace $0x90000047  }
0x134: {  	s0 =	sadd.s32 @!p0 $0x100000, s1;
	[bflag:$0x2] =	sbarrier.arrive $0xFFFF  }
0x135: {  	[sflag:s0] =	ssyncadd.tile.s32 @!p0 $0x1;
	_ =	shalt  }
.Lfunc_end2:
_tile_overlayer_lowered:
.L_overlay_start_2:
0x136: {  	(tag) =	ssettag $0x2  }
0x137: {  	s0 =	rddreg [dreg:$0x0];
	s2 =	stileid.u32  }
0x138: {  	s1 =	rddreg [dreg:$0x1];
	p0 =	sne.s32 s2, $0x0  }
0x139: {  	s3 =	rddreg [dreg:$0x2];
	[bflag:$0x3] =	sbarrier.arrive $0xFFFF;
	s2 =	simm.s32 @!p0 $0x1C03  }
0x13a: {  	[timem:s3], [sflag:s2] =	dma.local @!p0 [hbm:s0], s1  }
0x13b: {  	s0 =	simm.s32 @!p0 $0x3  }
0x13c: {  	_ =	swait.ge @!p0 [sflag:s0], s1  }
0x13d: {  	s1 =	ssub.s32 @!p0 $0x0, s1;
	[sflag:s0] =	ssyncset.done @!p0 $0x0  }
0x13e: {  	[sflag:s0] =	ssyncadd.s32 @!p0 s1  }
0x13f: {  	[bflag:$0x3] =	sbarrier.arrive $0xFFFF  }
0x140: {  	_ =	shalt  }

</sc_bundles>
